<compile_context>
chip_gen: v7x
topology: tpu7x:2x2x1
jax: 0.10.2.dev20260603
libtpu: 0.0.44.dev20260713+nightly
codegen_flags: <defaults>
</compile_context>

<pallas_src>
import functools
import math

import jax
import jax.numpy as jnp
from jax import lax
from jax.experimental import pallas as pl
from jax.experimental.pallas import tpu as pltpu
from jax.experimental.pallas import tpu_sc as plsc

N_NODES = 10000
N_EDGES = 320000
D_IN = 128
D_H = 64
AVG_NUM_NEIGHBOURS = 32.0
SCALE = 0.85
SHIFT = 0.12

LANES = 128
ROWS = N_EDGES // LANES
EDGE_BLOCK = 12800
MLP_GRID = N_EDGES // EDGE_BLOCK
ROW_BLOCK = EDGE_BLOCK // LANES

N_PAD = 10240
NUM_CORES = 2
NUM_SUBCORES = 16
SLICE = N_PAD // NUM_SUBCORES


def _mlp_body(x_ref, w0_ref, w1_ref, w2t_ref, o_ref):
    x = x_ref[...]
    h = jnp.dot(x, w0_ref[...], preferred_element_type=jnp.float32)
    m = 0.5 * h
    h = m * (jnp.tanh(m) + 1.0)
    h = jnp.dot(h, w1_ref[...], preferred_element_type=jnp.float32)
    m = 0.5 * h
    h = m * (jnp.tanh(m) + 1.0)
    o = jnp.dot(w2t_ref[...], h.T, preferred_element_type=jnp.float32)
    o_ref[...] = o.reshape(1, ROW_BLOCK, LANES)


def _mlp(edge_feats, w0, w1, w2s, offset, nblocks):
    return pl.pallas_call(
        _mlp_body,
        grid=(nblocks,),
        in_specs=[
            pl.BlockSpec((EDGE_BLOCK, D_IN), lambda i: (i + offset, 0)),
            pl.BlockSpec((D_IN, D_H), lambda i: (0, 0)),
            pl.BlockSpec((D_H, D_H), lambda i: (0, 0)),
            pl.BlockSpec((1, D_H), lambda i: (0, 0)),
        ],
        out_specs=pl.BlockSpec((1, ROW_BLOCK, LANES), lambda i: (i, 0, 0)),
        out_shape=jax.ShapeDtypeStruct((nblocks, ROW_BLOCK, LANES),
                                       jnp.float32),
    )(edge_feats, w0, w1, w2s)


SCAT_CHUNK = 20


def _scatter_body(offset, nblocks, idx_hbm, val_hbm, out_hbm, idx_v, val_v,
                  buf_v, acc_sh, sem):
    cid = lax.axis_index("c")
    sid = lax.axis_index("s")
    w = sid * NUM_CORES + cid

    load_i = pltpu.async_copy(idx_hbm.at[0].at[pl.ds(w % nblocks + offset, 1)],
                              idx_v, sem)
    load_v = pltpu.async_copy(val_hbm.at[pl.ds(w % nblocks, 1)], val_v, sem)

    def zero_body(i, carry):
        buf_v[pl.ds(i * 16, 16)] = jnp.zeros((16,), jnp.float32)
        return carry

    lax.fori_loop(0, SLICE // 16, zero_body, 0)
    pltpu.sync_copy(buf_v, acc_sh.at[pl.ds(sid * SLICE, SLICE)])
    load_i.wait()
    load_v.wait()
    plsc.subcore_barrier()

    @pl.when(w < nblocks)
    def _():
        def scat_chunk(c, carry):
            handles = []
            for b in range(SCAT_CHUNK):
                j = c * SCAT_CHUNK + b
                handles.append(pltpu.async_copy(
                    val_v.at[0, j], acc_sh.at[idx_v.at[0, j]], sem,
                    add=True))
            for h in handles:
                h.wait()
            return carry

        lax.fori_loop(0, ROW_BLOCK // SCAT_CHUNK, scat_chunk, 0)

    plsc.subcore_barrier()

    pltpu.sync_copy(acc_sh.at[pl.ds(sid * SLICE, SLICE)], out_hbm.at[cid, sid])


@functools.cache
def _make_scatter(offset, nblocks):
    mesh = plsc.VectorSubcoreMesh(core_axis_name="c", subcore_axis_name="s")
    return pl.kernel(
        functools.partial(_scatter_body, offset, nblocks),
        out_type=jax.ShapeDtypeStruct((NUM_CORES, NUM_SUBCORES, SLICE),
                                      jnp.float32),
        mesh=mesh,
        scratch_types=[
            pltpu.VMEM((1, ROW_BLOCK, LANES), jnp.int32),
            pltpu.VMEM((1, ROW_BLOCK, LANES), jnp.float32),
            pltpu.VMEM((SLICE,), jnp.float32),
            pltpu.VMEM_SHARED((N_PAD,), jnp.float32),
            pltpu.SemaphoreType.DMA,
        ],
    )


def _comb_body(p_ref, o_ref):
    o_ref[...] = p_ref[0] + p_ref[1] + SHIFT


def _combine(partials):
    return pl.pallas_call(
        _comb_body,
        out_shape=jax.ShapeDtypeStruct((NUM_SUBCORES, SLICE), jnp.float32),
    )(partials)


def kernel(edge_feats, edge_index, num_nodes, W0, W1, W2):
    del num_nodes
    c = SCALE / math.sqrt(AVG_NUM_NEIGHBOURS)
    w2s = (W2 * c).astype(jnp.float32).reshape(1, D_H)
    idx4d = edge_index.reshape(2, MLP_GRID, ROW_BLOCK, LANES)
    vals3d = _mlp(edge_feats, W0, W1, w2s, 0, MLP_GRID)
    partials = _make_scatter(0, MLP_GRID)(idx4d, vals3d)
    node = _combine(partials)
    return node.reshape(N_PAD)[:N_NODES].reshape(N_NODES, 1)

# --- scband reference (transcript-rebuilt; emitter-appended) ---
"""Pipeline reference for scband-readout-head-54391465837339 (READ-ONLY COPY).

The authoritative reference and input builder live on the scoring server;
editing this copy changes nothing except your own understanding.
"""

import math
import jax, jax.numpy as jnp
import numpy as np

N_NODES = 10000
N_EDGES = 320000
D_IN = 128
D_H = 64
NUM_TASKS = 1
AVG_NUM_NEIGHBOURS = 32.0
SCALE = 0.85
SHIFT = 0.12


def setup_inputs(seed: int = 0) -> dict:
    key = jax.random.key(seed)
    k1, k2, k3, k4, k5 = jax.random.split(key, 5)
    edge_feats = jax.random.normal(k1, (N_EDGES, D_IN), dtype=jnp.float32)
    edge_index = jax.random.randint(k2, (2, N_EDGES), 0, N_NODES, dtype=jnp.int32)
    W0 = jax.random.normal(k3, (D_IN, D_H), dtype=jnp.float32) / math.sqrt(D_IN)
    W1 = jax.random.normal(k4, (D_H, D_H), dtype=jnp.float32) / math.sqrt(D_H)
    W2 = jax.random.normal(k5, (D_H, NUM_TASKS), dtype=jnp.float32) / math.sqrt(D_H)
    return {
        "edge_feats": edge_feats,
        "edge_index": edge_index,
        "num_nodes": N_NODES,
        "W0": W0,
        "W1": W1,
        "W2": W2,
    }


def reference(edge_feats, edge_index, num_nodes, W0, W1, W2):
    # ScalarMLP over edge features: linear (irreps_in -> mlp_irreps) + gated
    # nonlinearity, latent layer, then projection to num_tasks outputs.
    h = jax.nn.silu(edge_feats @ W0)
    h = jax.nn.silu(h @ W1)
    edge_out = h @ W2  # [E, num_tasks]
    # scatter-add edge outputs onto destination nodes (index = edge_index[0])
    segment_ids = edge_index[0] % num_nodes
    node_feats = jax.ops.segment_sum(edge_out, segment_ids, num_segments=N_NODES)
    # normalize by sqrt(avg_num_neighbours)
    node_feats = node_feats * (1.0 / math.sqrt(AVG_NUM_NEIGHBOURS))
    # ScaleShiftBlock
    node_feats = node_feats * SCALE + SHIFT
    return node_feats

if __name__ == "__main__":
    import jax
    _d = setup_inputs()
    print(jax.jit(kernel)(*tuple(_d.values())))

</pallas_src>

<mosaic_0001>
#map = affine_map<(d0, d1) -> (0, 0, 0, 0)>
#map1 = affine_map<(d0, d1) -> (0, 0, 0)>
module attributes {stable_mosaic.version = 14 : i64} {
  func.func @_scatter_body(%arg0: i32, %arg1: i32, %arg2: memref<2x25x100x128xi32, #tpu.memory_space<hbm>>, %arg3: memref<25x100x128xf32, #tpu.memory_space<hbm>>, %arg4: memref<2x16x640xf32, #tpu.memory_space<hbm>>, %arg5: memref<1x100x128xi32, #tpu.memory_space<vmem>>, %arg6: memref<1x100x128xf32, #tpu.memory_space<vmem>>, %arg7: memref<640xf32, #tpu.memory_space<vmem>>, %arg8: memref<10240xf32, #tpu.memory_space<vmem_shared>>, %arg9: memref<!tpu.dma_semaphore, #tpu.memory_space<semaphore_mem>>) attributes {dimension_semantics = [#tpu.dimension_semantics<core_parallel>, #tpu.dimension_semantics<subcore_parallel>], iteration_bounds = array<i64: 2, 16>, scalar_prefetch = 0 : i64, scratch_operands = 5 : i64, tpu.core_type = #tpu.core_type<sc_vector_subcore>, window_params = [{transform_indices = #map}, {transform_indices = #map1}, {transform_indices = #map1}]} {
    %mul3A = arith.constant 2 : i32
    %mul3A_0 = arith.muli %arg1, %mul3A : i32
    %add3A = arith.addi %mul3A_0, %arg0 : i32
    %jit3A = arith.constant 25 : i32
    %eq3A = arith.constant 0 : i32
    %eq3A_1 = arith.cmpi eq, %jit3A, %eq3A : i32
    %jit3A_2 = arith.constant 1 : i32
    %select_n3A = arith.select %eq3A_1, %jit3A_2, %jit3A : i32
    %rem3A = arith.remsi %add3A, %select_n3A : i32
    %ne3A = arith.constant 0 : i32
    %ne3A_3 = arith.cmpi ne, %rem3A, %ne3A : i32
    %lt3A = arith.constant 0 : i32
    %lt3A_4 = arith.cmpi slt, %rem3A, %lt3A : i32
    %lt3A_5 = arith.constant 0 : i32
    %lt3A_6 = arith.cmpi slt, %select_n3A, %lt3A_5 : i32
    %ne3A_7 = arith.xori %lt3A_4, %lt3A_6 : i1
    %and3A = arith.andi %ne3A_7, %ne3A_3 : i1
    %add3A_8 = arith.addi %rem3A, %select_n3A : i32
    %select_n3A_9 = arith.select %and3A, %add3A_8, %rem3A : i32
    %add3A_10 = arith.constant 0 : i32
    %add3A_11 = arith.addi %select_n3A_9, %add3A_10 : i32
    %dma_start3A = arith.constant 0 : i32
    %dma_start3A_12 = arith.constant 0 : i32
    %dma_start3A_13 = arith.constant 0 : i32
    %dma_start3A_14 = arith.constant 0 : i32
    %dma_start3A_15 = tpu.memref_slice %arg2[%dma_start3A, %dma_start3A_12, %dma_start3A_13, %dma_start3A_14] : memref<2x25x100x128xi32, #tpu.memory_space<hbm>> -> memref<1x25x100x128xi32, #tpu.memory_space<hbm>>
    %dma_start3A_16 = tpu.memref_squeeze %dma_start3A_15 : memref<1x25x100x128xi32, #tpu.memory_space<hbm>> -> memref<25x100x128xi32, #tpu.memory_space<hbm>>
    %dma_start3A_17 = arith.constant 0 : i32
    %dma_start3A_18 = arith.constant 0 : i32
    %dma_start3A_19 = tpu.memref_slice %dma_start3A_16[%add3A_11, %dma_start3A_17, %dma_start3A_18] : memref<25x100x128xi32, #tpu.memory_space<hbm>> -> memref<1x100x128xi32, #tpu.memory_space<hbm>>
    %dma_start3A_20 = arith.constant 0 : i32
    %dma_start3A_21 = arith.constant 0 : i32
    %dma_start3A_22 = arith.constant 0 : i32
    %dma_start3A_23 = tpu.memref_slice %arg2[%dma_start3A, %dma_start3A_20, %dma_start3A_21, %dma_start3A_22] : memref<2x25x100x128xi32, #tpu.memory_space<hbm>> -> memref<1x25x100x128xi32, #tpu.memory_space<hbm>>
    %dma_start3A_24 = tpu.memref_squeeze %dma_start3A_23 : memref<1x25x100x128xi32, #tpu.memory_space<hbm>> -> memref<25x100x128xi32, #tpu.memory_space<hbm>>
    %dma_start3A_25 = arith.constant 0 : i32
    %dma_start3A_26 = arith.constant 0 : i32
    %dma_start3A_27 = tpu.memref_slice %dma_start3A_24[%add3A_11, %dma_start3A_25, %dma_start3A_26] : memref<25x100x128xi32, #tpu.memory_space<hbm>> -> memref<1x100x128xi32, #tpu.memory_space<hbm>>
    tpu.enqueue_dma source(%dma_start3A_27 : memref<1x100x128xi32, #tpu.memory_space<hbm>>) target(%arg5 : memref<1x100x128xi32, #tpu.memory_space<vmem>>) target_semaphore(%arg9 : memref<!tpu.dma_semaphore, #tpu.memory_space<semaphore_mem>>)
    %jit3A_28 = arith.constant 25 : i32
    %eq3A_29 = arith.constant 0 : i32
    %eq3A_30 = arith.cmpi eq, %jit3A_28, %eq3A_29 : i32
    %jit3A_31 = arith.constant 1 : i32
    %select_n3A_32 = arith.select %eq3A_30, %jit3A_31, %jit3A_28 : i32
    %rem3A_33 = arith.remsi %add3A, %select_n3A_32 : i32
    %ne3A_34 = arith.constant 0 : i32
    %ne3A_35 = arith.cmpi ne, %rem3A_33, %ne3A_34 : i32
    %lt3A_36 = arith.constant 0 : i32
    %lt3A_37 = arith.cmpi slt, %rem3A_33, %lt3A_36 : i32
    %lt3A_38 = arith.constant 0 : i32
    %lt3A_39 = arith.cmpi slt, %select_n3A_32, %lt3A_38 : i32
    %ne3A_40 = arith.xori %lt3A_37, %lt3A_39 : i1
    %and3A_41 = arith.andi %ne3A_40, %ne3A_35 : i1
    %add3A_42 = arith.addi %rem3A_33, %select_n3A_32 : i32
    %select_n3A_43 = arith.select %and3A_41, %add3A_42, %rem3A_33 : i32
    %dma_start3A_44 = arith.constant 0 : i32
    %dma_start3A_45 = arith.constant 0 : i32
    %dma_start3A_46 = tpu.memref_slice %arg3[%select_n3A_43, %dma_start3A_44, %dma_start3A_45] : memref<25x100x128xf32, #tpu.memory_space<hbm>> -> memref<1x100x128xf32, #tpu.memory_space<hbm>>
    %dma_start3A_47 = arith.constant 0 : i32
    %dma_start3A_48 = arith.constant 0 : i32
    %dma_start3A_49 = tpu.memref_slice %arg3[%select_n3A_43, %dma_start3A_47, %dma_start3A_48] : memref<25x100x128xf32, #tpu.memory_space<hbm>> -> memref<1x100x128xf32, #tpu.memory_space<hbm>>
    tpu.enqueue_dma source(%dma_start3A_49 : memref<1x100x128xf32, #tpu.memory_space<hbm>>) target(%arg6 : memref<1x100x128xf32, #tpu.memory_space<vmem>>) target_semaphore(%arg9 : memref<!tpu.dma_semaphore, #tpu.memory_space<semaphore_mem>>)
    %scan3A = arith.constant 0 : i32
    %scan3A_50 = arith.constant 0 : i32
    %scan3A_51 = arith.constant 40 : i32
    %scan3A_52 = arith.addi %scan3A_50, %scan3A_51 : i32
    %scan3A_53 = arith.constant 1 : i32
    scf.for %scan3A_85 = %scan3A_50 to %scan3A_52 step %scan3A_53  : i32 {
      %broadcast_in_dim3A = arith.constant 0.000000e+00 : f32
      %broadcast_in_dim3A_86 = vector.broadcast %broadcast_in_dim3A : f32 to vector<16xf32>
      %mul3A_87 = arith.constant 16 : i32
      %mul3A_88 = arith.muli %scan3A_85, %mul3A_87 : i32
      %swap3A = arith.index_cast %mul3A_88 : i32 to index
      %swap3A_89 = tpu.vector_load %arg7[%swap3A] {strides = array<i32>} : memref<640xf32, #tpu.memory_space<vmem>>, vector<16xf32>,
      %swap3A_90 = vector.shape_cast %swap3A_89 : vector<16xf32> to vector<16xf32>
      %swap3A_91 = vector.shape_cast %broadcast_in_dim3A_86 : vector<16xf32> to vector<16xf32>
      tpu.vector_store %arg7[%swap3A], %swap3A_91 {strides = array<i32>} : memref<640xf32, #tpu.memory_space<vmem>>, vector<16xf32>,
    }
    %scan3A_54 = arith.constant 40 : i32
    %mul3A_55 = arith.constant 640 : i32
    %mul3A_56 = arith.muli %arg1, %mul3A_55 : i32
    "tpu.region"() ({
      %run_scoped3A = tpu.sem_alloc : memref<!tpu.dma_semaphore, #tpu.memory_space<semaphore_mem>>
      %dma_start3A_85 = tpu.memref_slice %arg8[%mul3A_56] : memref<10240xf32, #tpu.memory_space<vmem_shared>> -> memref<640xf32, #tpu.memory_space<vmem_shared>>
      %dma_start3A_86 = tpu.memref_slice %arg8[%mul3A_56] : memref<10240xf32, #tpu.memory_space<vmem_shared>> -> memref<640xf32, #tpu.memory_space<vmem_shared>>
      tpu.enqueue_dma source(%arg7 : memref<640xf32, #tpu.memory_space<vmem>>) target(%dma_start3A_86 : memref<640xf32, #tpu.memory_space<vmem_shared>>) target_semaphore(%run_scoped3A : memref<!tpu.dma_semaphore, #tpu.memory_space<semaphore_mem>>)
      %dma_wait3A_87 = tpu.memref_slice %arg8[%mul3A_56] : memref<10240xf32, #tpu.memory_space<vmem_shared>> -> memref<640xf32, #tpu.memory_space<vmem_shared>>
      %dma_wait3A_88 = tpu.memref_slice %arg8[%mul3A_56] : memref<10240xf32, #tpu.memory_space<vmem_shared>> -> memref<640xf32, #tpu.memory_space<vmem_shared>>
      tpu.wait_dma2 semaphore(%run_scoped3A : memref<!tpu.dma_semaphore, #tpu.memory_space<semaphore_mem>>) src(%arg7 : memref<640xf32, #tpu.memory_space<vmem>>) dst(%dma_wait3A_88 : memref<640xf32, #tpu.memory_space<vmem_shared>>)
      tpu.yield
    }) : () -> ()
    %dma_wait3A = arith.constant 0 : i32
    %dma_wait3A_57 = arith.constant 0 : i32
    %dma_wait3A_58 = arith.constant 0 : i32
    %dma_wait3A_59 = arith.constant 0 : i32
    %dma_wait3A_60 = tpu.memref_slice %arg2[%dma_wait3A, %dma_wait3A_57, %dma_wait3A_58, %dma_wait3A_59] : memref<2x25x100x128xi32, #tpu.memory_space<hbm>> -> memref<1x25x100x128xi32, #tpu.memory_space<hbm>>
    %dma_wait3A_61 = tpu.memref_squeeze %dma_wait3A_60 : memref<1x25x100x128xi32, #tpu.memory_space<hbm>> -> memref<25x100x128xi32, #tpu.memory_space<hbm>>
    %dma_wait3A_62 = arith.constant 0 : i32
    %dma_wait3A_63 = arith.constant 0 : i32
    %dma_wait3A_64 = tpu.memref_slice %dma_wait3A_61[%add3A_11, %dma_wait3A_62, %dma_wait3A_63] : memref<25x100x128xi32, #tpu.memory_space<hbm>> -> memref<1x100x128xi32, #tpu.memory_space<hbm>>
    %dma_wait3A_65 = arith.constant 0 : i32
    %dma_wait3A_66 = arith.constant 0 : i32
    %dma_wait3A_67 = arith.constant 0 : i32
    %dma_wait3A_68 = tpu.memref_slice %arg2[%dma_wait3A, %dma_wait3A_65, %dma_wait3A_66, %dma_wait3A_67] : memref<2x25x100x128xi32, #tpu.memory_space<hbm>> -> memref<1x25x100x128xi32, #tpu.memory_space<hbm>>
    %dma_wait3A_69 = tpu.memref_squeeze %dma_wait3A_68 : memref<1x25x100x128xi32, #tpu.memory_space<hbm>> -> memref<25x100x128xi32, #tpu.memory_space<hbm>>
    %dma_wait3A_70 = arith.constant 0 : i32
    %dma_wait3A_71 = arith.constant 0 : i32
    %dma_wait3A_72 = tpu.memref_slice %dma_wait3A_69[%add3A_11, %dma_wait3A_70, %dma_wait3A_71] : memref<25x100x128xi32, #tpu.memory_space<hbm>> -> memref<1x100x128xi32, #tpu.memory_space<hbm>>
    tpu.wait_dma2 semaphore(%arg9 : memref<!tpu.dma_semaphore, #tpu.memory_space<semaphore_mem>>) src(%dma_wait3A_72 : memref<1x100x128xi32, #tpu.memory_space<hbm>>) dst(%arg5 : memref<1x100x128xi32, #tpu.memory_space<vmem>>)
    %dma_wait3A_73 = arith.constant 0 : i32
    %dma_wait3A_74 = arith.constant 0 : i32
    %dma_wait3A_75 = tpu.memref_slice %arg3[%select_n3A_43, %dma_wait3A_73, %dma_wait3A_74] : memref<25x100x128xf32, #tpu.memory_space<hbm>> -> memref<1x100x128xf32, #tpu.memory_space<hbm>>
    %dma_wait3A_76 = arith.constant 0 : i32
    %dma_wait3A_77 = arith.constant 0 : i32
    %dma_wait3A_78 = tpu.memref_slice %arg3[%select_n3A_43, %dma_wait3A_76, %dma_wait3A_77] : memref<25x100x128xf32, #tpu.memory_space<hbm>> -> memref<1x100x128xf32, #tpu.memory_space<hbm>>
    tpu.wait_dma2 semaphore(%arg9 : memref<!tpu.dma_semaphore, #tpu.memory_space<semaphore_mem>>) src(%dma_wait3A_78 : memref<1x100x128xf32, #tpu.memory_space<hbm>>) dst(%arg6 : memref<1x100x128xf32, #tpu.memory_space<vmem>>)
    %barrier3A = arith.constant 0 : index
    tpu.barrier barrier_id(%barrier3A)
    %lt3A_79 = arith.constant 25 : i32
    %lt3A_80 = arith.cmpi slt, %add3A, %lt3A_79 : i32
    %convert_element_type3A = arith.extui %lt3A_80 : i1 to i32
    %cond3A = arith.constant 0 : i32
    %cond3A_81 = arith.cmpi ne, %convert_element_type3A, %cond3A : i32
    scf.if %cond3A_81 {
      %scan3A_85 = arith.constant 0 : i32
      %scan3A_86 = arith.constant 0 : i32
      %scan3A_87 = arith.constant 5 : i32
      %scan3A_88 = arith.addi %scan3A_86, %scan3A_87 : i32
      %scan3A_89 = arith.constant 1 : i32
      scf.for %scan3A_91 = %scan3A_86 to %scan3A_88 step %scan3A_89  : i32 {
        %mul3A_92 = arith.constant 20 : i32
        %mul3A_93 = arith.muli %scan3A_91, %mul3A_92 : i32
        %add3A_94 = arith.constant 0 : i32
        %add3A_95 = arith.addi %mul3A_93, %add3A_94 : i32
        %dma_start3A_96 = arith.constant 0 : i32
        %dma_start3A_97 = arith.constant 0 : i32
        %dma_start3A_98 = arith.constant 0 : i32
        %dma_start3A_99 = tpu.memref_slice %arg6[%dma_start3A_96, %add3A_95, %dma_start3A_98] : memref<1x100x128xf32, #tpu.memory_space<vmem>> -> memref<1x1x128xf32, #tpu.memory_space<vmem>>
        %dma_start3A_100 = tpu.memref_squeeze %dma_start3A_99 : memref<1x1x128xf32, #tpu.memory_space<vmem>> -> memref<128xf32, #tpu.memory_space<vmem>>
        %dma_start3A_101 = arith.constant 0 : i32
        %dma_start3A_102 = tpu.memref_slice %arg5[%dma_start3A_97, %add3A_95, %dma_start3A_101] : memref<1x100x128xi32, #tpu.memory_space<vmem>> -> memref<1x1x128xi32, #tpu.memory_space<vmem>>
        %dma_start3A_103 = tpu.memref_squeeze %dma_start3A_102 : memref<1x1x128xi32, #tpu.memory_space<vmem>> -> memref<128xi32, #tpu.memory_space<vmem>>
        %dma_start3A_104 = arith.constant 0 : i32
        %dma_start3A_105 = tpu.memref_slice %arg8[%dma_start3A_104] : memref<10240xf32, #tpu.memory_space<vmem_shared>> -> memref<10240xf32, #tpu.memory_space<vmem_shared>>
        tpu.enqueue_indirect_dma source(%dma_start3A_100 : memref<128xf32, #tpu.memory_space<vmem>>) target(%dma_start3A_105 : memref<10240xf32, #tpu.memory_space<vmem_shared>>) offsets(%dma_start3A_103 : memref<128xi32, #tpu.memory_space<vmem>>) semaphore(%arg9 : memref<!tpu.dma_semaphore, #tpu.memory_space<semaphore_mem>>) {add = true}
        %mul3A_106 = arith.constant 20 : i32
        %mul3A_107 = arith.muli %scan3A_91, %mul3A_106 : i32
        %add3A_108 = arith.constant 1 : i32
        %add3A_109 = arith.addi %mul3A_107, %add3A_108 : i32
        %dma_start3A_110 = arith.constant 0 : i32
        %dma_start3A_111 = arith.constant 0 : i32
        %dma_start3A_112 = arith.constant 0 : i32
        %dma_start3A_113 = tpu.memref_slice %arg6[%dma_start3A_110, %add3A_109, %dma_start3A_112] : memref<1x100x128xf32, #tpu.memory_space<vmem>> -> memref<1x1x128xf32, #tpu.memory_space<vmem>>
        %dma_start3A_114 = tpu.memref_squeeze %dma_start3A_113 : memref<1x1x128xf32, #tpu.memory_space<vmem>> -> memref<128xf32, #tpu.memory_space<vmem>>
        %dma_start3A_115 = arith.constant 0 : i32
        %dma_start3A_116 = tpu.memref_slice %arg5[%dma_start3A_111, %add3A_109, %dma_start3A_115] : memref<1x100x128xi32, #tpu.memory_space<vmem>> -> memref<1x1x128xi32, #tpu.memory_space<vmem>>
        %dma_start3A_117 = tpu.memref_squeeze %dma_start3A_116 : memref<1x1x128xi32, #tpu.memory_space<vmem>> -> memref<128xi32, #tpu.memory_space<vmem>>
        %dma_start3A_118 = arith.constant 0 : i32
        %dma_start3A_119 = tpu.memref_slice %arg8[%dma_start3A_118] : memref<10240xf32, #tpu.memory_space<vmem_shared>> -> memref<10240xf32, #tpu.memory_space<vmem_shared>>
        tpu.enqueue_indirect_dma source(%dma_start3A_114 : memref<128xf32, #tpu.memory_space<vmem>>) target(%dma_start3A_119 : memref<10240xf32, #tpu.memory_space<vmem_shared>>) offsets(%dma_start3A_117 : memref<128xi32, #tpu.memory_space<vmem>>) semaphore(%arg9 : memref<!tpu.dma_semaphore, #tpu.memory_space<semaphore_mem>>) {add = true}
        %mul3A_120 = arith.constant 20 : i32
        %mul3A_121 = arith.muli %scan3A_91, %mul3A_120 : i32
        %add3A_122 = arith.constant 2 : i32
        %add3A_123 = arith.addi %mul3A_121, %add3A_122 : i32
        %dma_start3A_124 = arith.constant 0 : i32
        %dma_start3A_125 = arith.constant 0 : i32
        %dma_start3A_126 = arith.constant 0 : i32
        %dma_start3A_127 = tpu.memref_slice %arg6[%dma_start3A_124, %add3A_123, %dma_start3A_126] : memref<1x100x128xf32, #tpu.memory_space<vmem>> -> memref<1x1x128xf32, #tpu.memory_space<vmem>>
        %dma_start3A_128 = tpu.memref_squeeze %dma_start3A_127 : memref<1x1x128xf32, #tpu.memory_space<vmem>> -> memref<128xf32, #tpu.memory_space<vmem>>
        %dma_start3A_129 = arith.constant 0 : i32
        %dma_start3A_130 = tpu.memref_slice %arg5[%dma_start3A_125, %add3A_123, %dma_start3A_129] : memref<1x100x128xi32, #tpu.memory_space<vmem>> -> memref<1x1x128xi32, #tpu.memory_space<vmem>>
        %dma_start3A_131 = tpu.memref_squeeze %dma_start3A_130 : memref<1x1x128xi32, #tpu.memory_space<vmem>> -> memref<128xi32, #tpu.memory_space<vmem>>
        %dma_start3A_132 = arith.constant 0 : i32
        %dma_start3A_133 = tpu.memref_slice %arg8[%dma_start3A_132] : memref<10240xf32, #tpu.memory_space<vmem_shared>> -> memref<10240xf32, #tpu.memory_space<vmem_shared>>
        tpu.enqueue_indirect_dma source(%dma_start3A_128 : memref<128xf32, #tpu.memory_space<vmem>>) target(%dma_start3A_133 : memref<10240xf32, #tpu.memory_space<vmem_shared>>) offsets(%dma_start3A_131 : memref<128xi32, #tpu.memory_space<vmem>>) semaphore(%arg9 : memref<!tpu.dma_semaphore, #tpu.memory_space<semaphore_mem>>) {add = true}
        %mul3A_134 = arith.constant 20 : i32
        %mul3A_135 = arith.muli %scan3A_91, %mul3A_134 : i32
        %add3A_136 = arith.constant 3 : i32
        %add3A_137 = arith.addi %mul3A_135, %add3A_136 : i32
        %dma_start3A_138 = arith.constant 0 : i32
        %dma_start3A_139 = arith.constant 0 : i32
        %dma_start3A_140 = arith.constant 0 : i32
        %dma_start3A_141 = tpu.memref_slice %arg6[%dma_start3A_138, %add3A_137, %dma_start3A_140] : memref<1x100x128xf32, #tpu.memory_space<vmem>> -> memref<1x1x128xf32, #tpu.memory_space<vmem>>
        %dma_start3A_142 = tpu.memref_squeeze %dma_start3A_141 : memref<1x1x128xf32, #tpu.memory_space<vmem>> -> memref<128xf32, #tpu.memory_space<vmem>>
        %dma_start3A_143 = arith.constant 0 : i32
        %dma_start3A_144 = tpu.memref_slice %arg5[%dma_start3A_139, %add3A_137, %dma_start3A_143] : memref<1x100x128xi32, #tpu.memory_space<vmem>> -> memref<1x1x128xi32, #tpu.memory_space<vmem>>
        %dma_start3A_145 = tpu.memref_squeeze %dma_start3A_144 : memref<1x1x128xi32, #tpu.memory_space<vmem>> -> memref<128xi32, #tpu.memory_space<vmem>>
        %dma_start3A_146 = arith.constant 0 : i32
        %dma_start3A_147 = tpu.memref_slice %arg8[%dma_start3A_146] : memref<10240xf32, #tpu.memory_space<vmem_shared>> -> memref<10240xf32, #tpu.memory_space<vmem_shared>>
        tpu.enqueue_indirect_dma source(%dma_start3A_142 : memref<128xf32, #tpu.memory_space<vmem>>) target(%dma_start3A_147 : memref<10240xf32, #tpu.memory_space<vmem_shared>>) offsets(%dma_start3A_145 : memref<128xi32, #tpu.memory_space<vmem>>) semaphore(%arg9 : memref<!tpu.dma_semaphore, #tpu.memory_space<semaphore_mem>>) {add = true}
        %mul3A_148 = arith.constant 20 : i32
        %mul3A_149 = arith.muli %scan3A_91, %mul3A_148 : i32
        %add3A_150 = arith.constant 4 : i32
        %add3A_151 = arith.addi %mul3A_149, %add3A_150 : i32
        %dma_start3A_152 = arith.constant 0 : i32
        %dma_start3A_153 = arith.constant 0 : i32
        %dma_start3A_154 = arith.constant 0 : i32
        %dma_start3A_155 = tpu.memref_slice %arg6[%dma_start3A_152, %add3A_151, %dma_start3A_154] : memref<1x100x128xf32, #tpu.memory_space<vmem>> -> memref<1x1x128xf32, #tpu.memory_space<vmem>>
        %dma_start3A_156 = tpu.memref_squeeze %dma_start3A_155 : memref<1x1x128xf32, #tpu.memory_space<vmem>> -> memref<128xf32, #tpu.memory_space<vmem>>
        %dma_start3A_157 = arith.constant 0 : i32
        %dma_start3A_158 = tpu.memref_slice %arg5[%dma_start3A_153, %add3A_151, %dma_start3A_157] : memref<1x100x128xi32, #tpu.memory_space<vmem>> -> memref<1x1x128xi32, #tpu.memory_space<vmem>>
        %dma_start3A_159 = tpu.memref_squeeze %dma_start3A_158 : memref<1x1x128xi32, #tpu.memory_space<vmem>> -> memref<128xi32, #tpu.memory_space<vmem>>
        %dma_start3A_160 = arith.constant 0 : i32
        %dma_start3A_161 = tpu.memref_slice %arg8[%dma_start3A_160] : memref<10240xf32, #tpu.memory_space<vmem_shared>> -> memref<10240xf32, #tpu.memory_space<vmem_shared>>
        tpu.enqueue_indirect_dma source(%dma_start3A_156 : memref<128xf32, #tpu.memory_space<vmem>>) target(%dma_start3A_161 : memref<10240xf32, #tpu.memory_space<vmem_shared>>) offsets(%dma_start3A_159 : memref<128xi32, #tpu.memory_space<vmem>>) semaphore(%arg9 : memref<!tpu.dma_semaphore, #tpu.memory_space<semaphore_mem>>) {add = true}
        %mul3A_162 = arith.constant 20 : i32
        %mul3A_163 = arith.muli %scan3A_91, %mul3A_162 : i32
        %add3A_164 = arith.constant 5 : i32
        %add3A_165 = arith.addi %mul3A_163, %add3A_164 : i32
        %dma_start3A_166 = arith.constant 0 : i32
        %dma_start3A_167 = arith.constant 0 : i32
        %dma_start3A_168 = arith.constant 0 : i32
        %dma_start3A_169 = tpu.memref_slice %arg6[%dma_start3A_166, %add3A_165, %dma_start3A_168] : memref<1x100x128xf32, #tpu.memory_space<vmem>> -> memref<1x1x128xf32, #tpu.memory_space<vmem>>
        %dma_start3A_170 = tpu.memref_squeeze %dma_start3A_169 : memref<1x1x128xf32, #tpu.memory_space<vmem>> -> memref<128xf32, #tpu.memory_space<vmem>>
        %dma_start3A_171 = arith.constant 0 : i32
        %dma_start3A_172 = tpu.memref_slice %arg5[%dma_start3A_167, %add3A_165, %dma_start3A_171] : memref<1x100x128xi32, #tpu.memory_space<vmem>> -> memref<1x1x128xi32, #tpu.memory_space<vmem>>
        %dma_start3A_173 = tpu.memref_squeeze %dma_start3A_172 : memref<1x1x128xi32, #tpu.memory_space<vmem>> -> memref<128xi32, #tpu.memory_space<vmem>>
        %dma_start3A_174 = arith.constant 0 : i32
        %dma_start3A_175 = tpu.memref_slice %arg8[%dma_start3A_174] : memref<10240xf32, #tpu.memory_space<vmem_shared>> -> memref<10240xf32, #tpu.memory_space<vmem_shared>>
        tpu.enqueue_indirect_dma source(%dma_start3A_170 : memref<128xf32, #tpu.memory_space<vmem>>) target(%dma_start3A_175 : memref<10240xf32, #tpu.memory_space<vmem_shared>>) offsets(%dma_start3A_173 : memref<128xi32, #tpu.memory_space<vmem>>) semaphore(%arg9 : memref<!tpu.dma_semaphore, #tpu.memory_space<semaphore_mem>>) {add = true}
        %mul3A_176 = arith.constant 20 : i32
        %mul3A_177 = arith.muli %scan3A_91, %mul3A_176 : i32
        %add3A_178 = arith.constant 6 : i32
        %add3A_179 = arith.addi %mul3A_177, %add3A_178 : i32
        %dma_start3A_180 = arith.constant 0 : i32
        %dma_start3A_181 = arith.constant 0 : i32
        %dma_start3A_182 = arith.constant 0 : i32
        %dma_start3A_183 = tpu.memref_slice %arg6[%dma_start3A_180, %add3A_179, %dma_start3A_182] : memref<1x100x128xf32, #tpu.memory_space<vmem>> -> memref<1x1x128xf32, #tpu.memory_space<vmem>>
        %dma_start3A_184 = tpu.memref_squeeze %dma_start3A_183 : memref<1x1x128xf32, #tpu.memory_space<vmem>> -> memref<128xf32, #tpu.memory_space<vmem>>
        %dma_start3A_185 = arith.constant 0 : i32
        %dma_start3A_186 = tpu.memref_slice %arg5[%dma_start3A_181, %add3A_179, %dma_start3A_185] : memref<1x100x128xi32, #tpu.memory_space<vmem>> -> memref<1x1x128xi32, #tpu.memory_space<vmem>>
        %dma_start3A_187 = tpu.memref_squeeze %dma_start3A_186 : memref<1x1x128xi32, #tpu.memory_space<vmem>> -> memref<128xi32, #tpu.memory_space<vmem>>
        %dma_start3A_188 = arith.constant 0 : i32
        %dma_start3A_189 = tpu.memref_slice %arg8[%dma_start3A_188] : memref<10240xf32, #tpu.memory_space<vmem_shared>> -> memref<10240xf32, #tpu.memory_space<vmem_shared>>
        tpu.enqueue_indirect_dma source(%dma_start3A_184 : memref<128xf32, #tpu.memory_space<vmem>>) target(%dma_start3A_189 : memref<10240xf32, #tpu.memory_space<vmem_shared>>) offsets(%dma_start3A_187 : memref<128xi32, #tpu.memory_space<vmem>>) semaphore(%arg9 : memref<!tpu.dma_semaphore, #tpu.memory_space<semaphore_mem>>) {add = true}
        %mul3A_190 = arith.constant 20 : i32
        %mul3A_191 = arith.muli %scan3A_91, %mul3A_190 : i32
        %add3A_192 = arith.constant 7 : i32
        %add3A_193 = arith.addi %mul3A_191, %add3A_192 : i32
        %dma_start3A_194 = arith.constant 0 : i32
        %dma_start3A_195 = arith.constant 0 : i32
        %dma_start3A_196 = arith.constant 0 : i32
        %dma_start3A_197 = tpu.memref_slice %arg6[%dma_start3A_194, %add3A_193, %dma_start3A_196] : memref<1x100x128xf32, #tpu.memory_space<vmem>> -> memref<1x1x128xf32, #tpu.memory_space<vmem>>
        %dma_start3A_198 = tpu.memref_squeeze %dma_start3A_197 : memref<1x1x128xf32, #tpu.memory_space<vmem>> -> memref<128xf32, #tpu.memory_space<vmem>>
        %dma_start3A_199 = arith.constant 0 : i32
        %dma_start3A_200 = tpu.memref_slice %arg5[%dma_start3A_195, %add3A_193, %dma_start3A_199] : memref<1x100x128xi32, #tpu.memory_space<vmem>> -> memref<1x1x128xi32, #tpu.memory_space<vmem>>
        %dma_start3A_201 = tpu.memref_squeeze %dma_start3A_200 : memref<1x1x128xi32, #tpu.memory_space<vmem>> -> memref<128xi32, #tpu.memory_space<vmem>>
        %dma_start3A_202 = arith.constant 0 : i32
        %dma_start3A_203 = tpu.memref_slice %arg8[%dma_start3A_202] : memref<10240xf32, #tpu.memory_space<vmem_shared>> -> memref<10240xf32, #tpu.memory_space<vmem_shared>>
        tpu.enqueue_indirect_dma source(%dma_start3A_198 : memref<128xf32, #tpu.memory_space<vmem>>) target(%dma_start3A_203 : memref<10240xf32, #tpu.memory_space<vmem_shared>>) offsets(%dma_start3A_201 : memref<128xi32, #tpu.memory_space<vmem>>) semaphore(%arg9 : memref<!tpu.dma_semaphore, #tpu.memory_space<semaphore_mem>>) {add = true}
        %mul3A_204 = arith.constant 20 : i32
        %mul3A_205 = arith.muli %scan3A_91, %mul3A_204 : i32
        %add3A_206 = arith.constant 8 : i32
        %add3A_207 = arith.addi %mul3A_205, %add3A_206 : i32
        %dma_start3A_208 = arith.constant 0 : i32
        %dma_start3A_209 = arith.constant 0 : i32
        %dma_start3A_210 = arith.constant 0 : i32
        %dma_start3A_211 = tpu.memref_slice %arg6[%dma_start3A_208, %add3A_207, %dma_start3A_210] : memref<1x100x128xf32, #tpu.memory_space<vmem>> -> memref<1x1x128xf32, #tpu.memory_space<vmem>>
        %dma_start3A_212 = tpu.memref_squeeze %dma_start3A_211 : memref<1x1x128xf32, #tpu.memory_space<vmem>> -> memref<128xf32, #tpu.memory_space<vmem>>
        %dma_start3A_213 = arith.constant 0 : i32
        %dma_start3A_214 = tpu.memref_slice %arg5[%dma_start3A_209, %add3A_207, %dma_start3A_213] : memref<1x100x128xi32, #tpu.memory_space<vmem>> -> memref<1x1x128xi32, #tpu.memory_space<vmem>>
        %dma_start3A_215 = tpu.memref_squeeze %dma_start3A_214 : memref<1x1x128xi32, #tpu.memory_space<vmem>> -> memref<128xi32, #tpu.memory_space<vmem>>
        %dma_start3A_216 = arith.constant 0 : i32
        %dma_start3A_217 = tpu.memref_slice %arg8[%dma_start3A_216] : memref<10240xf32, #tpu.memory_space<vmem_shared>> -> memref<10240xf32, #tpu.memory_space<vmem_shared>>
        tpu.enqueue_indirect_dma source(%dma_start3A_212 : memref<128xf32, #tpu.memory_space<vmem>>) target(%dma_start3A_217 : memref<10240xf32, #tpu.memory_space<vmem_shared>>) offsets(%dma_start3A_215 : memref<128xi32, #tpu.memory_space<vmem>>) semaphore(%arg9 : memref<!tpu.dma_semaphore, #tpu.memory_space<semaphore_mem>>) {add = true}
        %mul3A_218 = arith.constant 20 : i32
        %mul3A_219 = arith.muli %scan3A_91, %mul3A_218 : i32
        %add3A_220 = arith.constant 9 : i32
        %add3A_221 = arith.addi %mul3A_219, %add3A_220 : i32
        %dma_start3A_222 = arith.constant 0 : i32
        %dma_start3A_223 = arith.constant 0 : i32
        %dma_start3A_224 = arith.constant 0 : i32
        %dma_start3A_225 = tpu.memref_slice %arg6[%dma_start3A_222, %add3A_221, %dma_start3A_224] : memref<1x100x128xf32, #tpu.memory_space<vmem>> -> memref<1x1x128xf32, #tpu.memory_space<vmem>>
        %dma_start3A_226 = tpu.memref_squeeze %dma_start3A_225 : memref<1x1x128xf32, #tpu.memory_space<vmem>> -> memref<128xf32, #tpu.memory_space<vmem>>
        %dma_start3A_227 = arith.constant 0 : i32
        %dma_start3A_228 = tpu.memref_slice %arg5[%dma_start3A_223, %add3A_221, %dma_start3A_227] : memref<1x100x128xi32, #tpu.memory_space<vmem>> -> memref<1x1x128xi32, #tpu.memory_space<vmem>>
        %dma_start3A_229 = tpu.memref_squeeze %dma_start3A_228 : memref<1x1x128xi32, #tpu.memory_space<vmem>> -> memref<128xi32, #tpu.memory_space<vmem>>
        %dma_start3A_230 = arith.constant 0 : i32
        %dma_start3A_231 = tpu.memref_slice %arg8[%dma_start3A_230] : memref<10240xf32, #tpu.memory_space<vmem_shared>> -> memref<10240xf32, #tpu.memory_space<vmem_shared>>
        tpu.enqueue_indirect_dma source(%dma_start3A_226 : memref<128xf32, #tpu.memory_space<vmem>>) target(%dma_start3A_231 : memref<10240xf32, #tpu.memory_space<vmem_shared>>) offsets(%dma_start3A_229 : memref<128xi32, #tpu.memory_space<vmem>>) semaphore(%arg9 : memref<!tpu.dma_semaphore, #tpu.memory_space<semaphore_mem>>) {add = true}
        %mul3A_232 = arith.constant 20 : i32
        %mul3A_233 = arith.muli %scan3A_91, %mul3A_232 : i32
        %add3A_234 = arith.constant 10 : i32
        %add3A_235 = arith.addi %mul3A_233, %add3A_234 : i32
        %dma_start3A_236 = arith.constant 0 : i32
        %dma_start3A_237 = arith.constant 0 : i32
        %dma_start3A_238 = arith.constant 0 : i32
        %dma_start3A_239 = tpu.memref_slice %arg6[%dma_start3A_236, %add3A_235, %dma_start3A_238] : memref<1x100x128xf32, #tpu.memory_space<vmem>> -> memref<1x1x128xf32, #tpu.memory_space<vmem>>
        %dma_start3A_240 = tpu.memref_squeeze %dma_start3A_239 : memref<1x1x128xf32, #tpu.memory_space<vmem>> -> memref<128xf32, #tpu.memory_space<vmem>>
        %dma_start3A_241 = arith.constant 0 : i32
        %dma_start3A_242 = tpu.memref_slice %arg5[%dma_start3A_237, %add3A_235, %dma_start3A_241] : memref<1x100x128xi32, #tpu.memory_space<vmem>> -> memref<1x1x128xi32, #tpu.memory_space<vmem>>
        %dma_start3A_243 = tpu.memref_squeeze %dma_start3A_242 : memref<1x1x128xi32, #tpu.memory_space<vmem>> -> memref<128xi32, #tpu.memory_space<vmem>>
        %dma_start3A_244 = arith.constant 0 : i32
        %dma_start3A_245 = tpu.memref_slice %arg8[%dma_start3A_244] : memref<10240xf32, #tpu.memory_space<vmem_shared>> -> memref<10240xf32, #tpu.memory_space<vmem_shared>>
        tpu.enqueue_indirect_dma source(%dma_start3A_240 : memref<128xf32, #tpu.memory_space<vmem>>) target(%dma_start3A_245 : memref<10240xf32, #tpu.memory_space<vmem_shared>>) offsets(%dma_start3A_243 : memref<128xi32, #tpu.memory_space<vmem>>) semaphore(%arg9 : memref<!tpu.dma_semaphore, #tpu.memory_space<semaphore_mem>>) {add = true}
        %mul3A_246 = arith.constant 20 : i32
        %mul3A_247 = arith.muli %scan3A_91, %mul3A_246 : i32
        %add3A_248 = arith.constant 11 : i32
        %add3A_249 = arith.addi %mul3A_247, %add3A_248 : i32
        %dma_start3A_250 = arith.constant 0 : i32
        %dma_start3A_251 = arith.constant 0 : i32
        %dma_start3A_252 = arith.constant 0 : i32
        %dma_start3A_253 = tpu.memref_slice %arg6[%dma_start3A_250, %add3A_249, %dma_start3A_252] : memref<1x100x128xf32, #tpu.memory_space<vmem>> -> memref<1x1x128xf32, #tpu.memory_space<vmem>>
        %dma_start3A_254 = tpu.memref_squeeze %dma_start3A_253 : memref<1x1x128xf32, #tpu.memory_space<vmem>> -> memref<128xf32, #tpu.memory_space<vmem>>
        %dma_start3A_255 = arith.constant 0 : i32
        %dma_start3A_256 = tpu.memref_slice %arg5[%dma_start3A_251, %add3A_249, %dma_start3A_255] : memref<1x100x128xi32, #tpu.memory_space<vmem>> -> memref<1x1x128xi32, #tpu.memory_space<vmem>>
        %dma_start3A_257 = tpu.memref_squeeze %dma_start3A_256 : memref<1x1x128xi32, #tpu.memory_space<vmem>> -> memref<128xi32, #tpu.memory_space<vmem>>
        %dma_start3A_258 = arith.constant 0 : i32
        %dma_start3A_259 = tpu.memref_slice %arg8[%dma_start3A_258] : memref<10240xf32, #tpu.memory_space<vmem_shared>> -> memref<10240xf32, #tpu.memory_space<vmem_shared>>
        tpu.enqueue_indirect_dma source(%dma_start3A_254 : memref<128xf32, #tpu.memory_space<vmem>>) target(%dma_start3A_259 : memref<10240xf32, #tpu.memory_space<vmem_shared>>) offsets(%dma_start3A_257 : memref<128xi32, #tpu.memory_space<vmem>>) semaphore(%arg9 : memref<!tpu.dma_semaphore, #tpu.memory_space<semaphore_mem>>) {add = true}
        %mul3A_260 = arith.constant 20 : i32
        %mul3A_261 = arith.muli %scan3A_91, %mul3A_260 : i32
        %add3A_262 = arith.constant 12 : i32
        %add3A_263 = arith.addi %mul3A_261, %add3A_262 : i32
        %dma_start3A_264 = arith.constant 0 : i32
        %dma_start3A_265 = arith.constant 0 : i32
        %dma_start3A_266 = arith.constant 0 : i32
        %dma_start3A_267 = tpu.memref_slice %arg6[%dma_start3A_264, %add3A_263, %dma_start3A_266] : memref<1x100x128xf32, #tpu.memory_space<vmem>> -> memref<1x1x128xf32, #tpu.memory_space<vmem>>
        %dma_start3A_268 = tpu.memref_squeeze %dma_start3A_267 : memref<1x1x128xf32, #tpu.memory_space<vmem>> -> memref<128xf32, #tpu.memory_space<vmem>>
        %dma_start3A_269 = arith.constant 0 : i32
        %dma_start3A_270 = tpu.memref_slice %arg5[%dma_start3A_265, %add3A_263, %dma_start3A_269] : memref<1x100x128xi32, #tpu.memory_space<vmem>> -> memref<1x1x128xi32, #tpu.memory_space<vmem>>
        %dma_start3A_271 = tpu.memref_squeeze %dma_start3A_270 : memref<1x1x128xi32, #tpu.memory_space<vmem>> -> memref<128xi32, #tpu.memory_space<vmem>>
        %dma_start3A_272 = arith.constant 0 : i32
        %dma_start3A_273 = tpu.memref_slice %arg8[%dma_start3A_272] : memref<10240xf32, #tpu.memory_space<vmem_shared>> -> memref<10240xf32, #tpu.memory_space<vmem_shared>>
        tpu.enqueue_indirect_dma source(%dma_start3A_268 : memref<128xf32, #tpu.memory_space<vmem>>) target(%dma_start3A_273 : memref<10240xf32, #tpu.memory_space<vmem_shared>>) offsets(%dma_start3A_271 : memref<128xi32, #tpu.memory_space<vmem>>) semaphore(%arg9 : memref<!tpu.dma_semaphore, #tpu.memory_space<semaphore_mem>>) {add = true}
        %mul3A_274 = arith.constant 20 : i32
        %mul3A_275 = arith.muli %scan3A_91, %mul3A_274 : i32
        %add3A_276 = arith.constant 13 : i32
        %add3A_277 = arith.addi %mul3A_275, %add3A_276 : i32
        %dma_start3A_278 = arith.constant 0 : i32
        %dma_start3A_279 = arith.constant 0 : i32
        %dma_start3A_280 = arith.constant 0 : i32
        %dma_start3A_281 = tpu.memref_slice %arg6[%dma_start3A_278, %add3A_277, %dma_start3A_280] : memref<1x100x128xf32, #tpu.memory_space<vmem>> -> memref<1x1x128xf32, #tpu.memory_space<vmem>>
        %dma_start3A_282 = tpu.memref_squeeze %dma_start3A_281 : memref<1x1x128xf32, #tpu.memory_space<vmem>> -> memref<128xf32, #tpu.memory_space<vmem>>
        %dma_start3A_283 = arith.constant 0 : i32
        %dma_start3A_284 = tpu.memref_slice %arg5[%dma_start3A_279, %add3A_277, %dma_start3A_283] : memref<1x100x128xi32, #tpu.memory_space<vmem>> -> memref<1x1x128xi32, #tpu.memory_space<vmem>>
        %dma_start3A_285 = tpu.memref_squeeze %dma_start3A_284 : memref<1x1x128xi32, #tpu.memory_space<vmem>> -> memref<128xi32, #tpu.memory_space<vmem>>
        %dma_start3A_286 = arith.constant 0 : i32
        %dma_start3A_287 = tpu.memref_slice %arg8[%dma_start3A_286] : memref<10240xf32, #tpu.memory_space<vmem_shared>> -> memref<10240xf32, #tpu.memory_space<vmem_shared>>
        tpu.enqueue_indirect_dma source(%dma_start3A_282 : memref<128xf32, #tpu.memory_space<vmem>>) target(%dma_start3A_287 : memref<10240xf32, #tpu.memory_space<vmem_shared>>) offsets(%dma_start3A_285 : memref<128xi32, #tpu.memory_space<vmem>>) semaphore(%arg9 : memref<!tpu.dma_semaphore, #tpu.memory_space<semaphore_mem>>) {add = true}
        %mul3A_288 = arith.constant 20 : i32
        %mul3A_289 = arith.muli %scan3A_91, %mul3A_288 : i32
        %add3A_290 = arith.constant 14 : i32
        %add3A_291 = arith.addi %mul3A_289, %add3A_290 : i32
        %dma_start3A_292 = arith.constant 0 : i32
        %dma_start3A_293 = arith.constant 0 : i32
        %dma_start3A_294 = arith.constant 0 : i32
        %dma_start3A_295 = tpu.memref_slice %arg6[%dma_start3A_292, %add3A_291, %dma_start3A_294] : memref<1x100x128xf32, #tpu.memory_space<vmem>> -> memref<1x1x128xf32, #tpu.memory_space<vmem>>
        %dma_start3A_296 = tpu.memref_squeeze %dma_start3A_295 : memref<1x1x128xf32, #tpu.memory_space<vmem>> -> memref<128xf32, #tpu.memory_space<vmem>>
        %dma_start3A_297 = arith.constant 0 : i32
        %dma_start3A_298 = tpu.memref_slice %arg5[%dma_start3A_293, %add3A_291, %dma_start3A_297] : memref<1x100x128xi32, #tpu.memory_space<vmem>> -> memref<1x1x128xi32, #tpu.memory_space<vmem>>
        %dma_start3A_299 = tpu.memref_squeeze %dma_start3A_298 : memref<1x1x128xi32, #tpu.memory_space<vmem>> -> memref<128xi32, #tpu.memory_space<vmem>>
        %dma_start3A_300 = arith.constant 0 : i32
        %dma_start3A_301 = tpu.memref_slice %arg8[%dma_start3A_300] : memref<10240xf32, #tpu.memory_space<vmem_shared>> -> memref<10240xf32, #tpu.memory_space<vmem_shared>>
        tpu.enqueue_indirect_dma source(%dma_start3A_296 : memref<128xf32, #tpu.memory_space<vmem>>) target(%dma_start3A_301 : memref<10240xf32, #tpu.memory_space<vmem_shared>>) offsets(%dma_start3A_299 : memref<128xi32, #tpu.memory_space<vmem>>) semaphore(%arg9 : memref<!tpu.dma_semaphore, #tpu.memory_space<semaphore_mem>>) {add = true}
        %mul3A_302 = arith.constant 20 : i32
        %mul3A_303 = arith.muli %scan3A_91, %mul3A_302 : i32
        %add3A_304 = arith.constant 15 : i32
        %add3A_305 = arith.addi %mul3A_303, %add3A_304 : i32
        %dma_start3A_306 = arith.constant 0 : i32
        %dma_start3A_307 = arith.constant 0 : i32
        %dma_start3A_308 = arith.constant 0 : i32
        %dma_start3A_309 = tpu.memref_slice %arg6[%dma_start3A_306, %add3A_305, %dma_start3A_308] : memref<1x100x128xf32, #tpu.memory_space<vmem>> -> memref<1x1x128xf32, #tpu.memory_space<vmem>>
        %dma_start3A_310 = tpu.memref_squeeze %dma_start3A_309 : memref<1x1x128xf32, #tpu.memory_space<vmem>> -> memref<128xf32, #tpu.memory_space<vmem>>
        %dma_start3A_311 = arith.constant 0 : i32
        %dma_start3A_312 = tpu.memref_slice %arg5[%dma_start3A_307, %add3A_305, %dma_start3A_311] : memref<1x100x128xi32, #tpu.memory_space<vmem>> -> memref<1x1x128xi32, #tpu.memory_space<vmem>>
        %dma_start3A_313 = tpu.memref_squeeze %dma_start3A_312 : memref<1x1x128xi32, #tpu.memory_space<vmem>> -> memref<128xi32, #tpu.memory_space<vmem>>
        %dma_start3A_314 = arith.constant 0 : i32
        %dma_start3A_315 = tpu.memref_slice %arg8[%dma_start3A_314] : memref<10240xf32, #tpu.memory_space<vmem_shared>> -> memref<10240xf32, #tpu.memory_space<vmem_shared>>
        tpu.enqueue_indirect_dma source(%dma_start3A_310 : memref<128xf32, #tpu.memory_space<vmem>>) target(%dma_start3A_315 : memref<10240xf32, #tpu.memory_space<vmem_shared>>) offsets(%dma_start3A_313 : memref<128xi32, #tpu.memory_space<vmem>>) semaphore(%arg9 : memref<!tpu.dma_semaphore, #tpu.memory_space<semaphore_mem>>) {add = true}
        %mul3A_316 = arith.constant 20 : i32
        %mul3A_317 = arith.muli %scan3A_91, %mul3A_316 : i32
        %add3A_318 = arith.constant 16 : i32
        %add3A_319 = arith.addi %mul3A_317, %add3A_318 : i32
        %dma_start3A_320 = arith.constant 0 : i32
        %dma_start3A_321 = arith.constant 0 : i32
        %dma_start3A_322 = arith.constant 0 : i32
        %dma_start3A_323 = tpu.memref_slice %arg6[%dma_start3A_320, %add3A_319, %dma_start3A_322] : memref<1x100x128xf32, #tpu.memory_space<vmem>> -> memref<1x1x128xf32, #tpu.memory_space<vmem>>
        %dma_start3A_324 = tpu.memref_squeeze %dma_start3A_323 : memref<1x1x128xf32, #tpu.memory_space<vmem>> -> memref<128xf32, #tpu.memory_space<vmem>>
        %dma_start3A_325 = arith.constant 0 : i32
        %dma_start3A_326 = tpu.memref_slice %arg5[%dma_start3A_321, %add3A_319, %dma_start3A_325] : memref<1x100x128xi32, #tpu.memory_space<vmem>> -> memref<1x1x128xi32, #tpu.memory_space<vmem>>
        %dma_start3A_327 = tpu.memref_squeeze %dma_start3A_326 : memref<1x1x128xi32, #tpu.memory_space<vmem>> -> memref<128xi32, #tpu.memory_space<vmem>>
        %dma_start3A_328 = arith.constant 0 : i32
        %dma_start3A_329 = tpu.memref_slice %arg8[%dma_start3A_328] : memref<10240xf32, #tpu.memory_space<vmem_shared>> -> memref<10240xf32, #tpu.memory_space<vmem_shared>>
        tpu.enqueue_indirect_dma source(%dma_start3A_324 : memref<128xf32, #tpu.memory_space<vmem>>) target(%dma_start3A_329 : memref<10240xf32, #tpu.memory_space<vmem_shared>>) offsets(%dma_start3A_327 : memref<128xi32, #tpu.memory_space<vmem>>) semaphore(%arg9 : memref<!tpu.dma_semaphore, #tpu.memory_space<semaphore_mem>>) {add = true}
        %mul3A_330 = arith.constant 20 : i32
        %mul3A_331 = arith.muli %scan3A_91, %mul3A_330 : i32
        %add3A_332 = arith.constant 17 : i32
        %add3A_333 = arith.addi %mul3A_331, %add3A_332 : i32
        %dma_start3A_334 = arith.constant 0 : i32
        %dma_start3A_335 = arith.constant 0 : i32
        %dma_start3A_336 = arith.constant 0 : i32
        %dma_start3A_337 = tpu.memref_slice %arg6[%dma_start3A_334, %add3A_333, %dma_start3A_336] : memref<1x100x128xf32, #tpu.memory_space<vmem>> -> memref<1x1x128xf32, #tpu.memory_space<vmem>>
        %dma_start3A_338 = tpu.memref_squeeze %dma_start3A_337 : memref<1x1x128xf32, #tpu.memory_space<vmem>> -> memref<128xf32, #tpu.memory_space<vmem>>
        %dma_start3A_339 = arith.constant 0 : i32
        %dma_start3A_340 = tpu.memref_slice %arg5[%dma_start3A_335, %add3A_333, %dma_start3A_339] : memref<1x100x128xi32, #tpu.memory_space<vmem>> -> memref<1x1x128xi32, #tpu.memory_space<vmem>>
        %dma_start3A_341 = tpu.memref_squeeze %dma_start3A_340 : memref<1x1x128xi32, #tpu.memory_space<vmem>> -> memref<128xi32, #tpu.memory_space<vmem>>
        %dma_start3A_342 = arith.constant 0 : i32
        %dma_start3A_343 = tpu.memref_slice %arg8[%dma_start3A_342] : memref<10240xf32, #tpu.memory_space<vmem_shared>> -> memref<10240xf32, #tpu.memory_space<vmem_shared>>
        tpu.enqueue_indirect_dma source(%dma_start3A_338 : memref<128xf32, #tpu.memory_space<vmem>>) target(%dma_start3A_343 : memref<10240xf32, #tpu.memory_space<vmem_shared>>) offsets(%dma_start3A_341 : memref<128xi32, #tpu.memory_space<vmem>>) semaphore(%arg9 : memref<!tpu.dma_semaphore, #tpu.memory_space<semaphore_mem>>) {add = true}
        %mul3A_344 = arith.constant 20 : i32
        %mul3A_345 = arith.muli %scan3A_91, %mul3A_344 : i32
        %add3A_346 = arith.constant 18 : i32
        %add3A_347 = arith.addi %mul3A_345, %add3A_346 : i32
        %dma_start3A_348 = arith.constant 0 : i32
        %dma_start3A_349 = arith.constant 0 : i32
        %dma_start3A_350 = arith.constant 0 : i32
        %dma_start3A_351 = tpu.memref_slice %arg6[%dma_start3A_348, %add3A_347, %dma_start3A_350] : memref<1x100x128xf32, #tpu.memory_space<vmem>> -> memref<1x1x128xf32, #tpu.memory_space<vmem>>
        %dma_start3A_352 = tpu.memref_squeeze %dma_start3A_351 : memref<1x1x128xf32, #tpu.memory_space<vmem>> -> memref<128xf32, #tpu.memory_space<vmem>>
        %dma_start3A_353 = arith.constant 0 : i32
        %dma_start3A_354 = tpu.memref_slice %arg5[%dma_start3A_349, %add3A_347, %dma_start3A_353] : memref<1x100x128xi32, #tpu.memory_space<vmem>> -> memref<1x1x128xi32, #tpu.memory_space<vmem>>
        %dma_start3A_355 = tpu.memref_squeeze %dma_start3A_354 : memref<1x1x128xi32, #tpu.memory_space<vmem>> -> memref<128xi32, #tpu.memory_space<vmem>>
        %dma_start3A_356 = arith.constant 0 : i32
        %dma_start3A_357 = tpu.memref_slice %arg8[%dma_start3A_356] : memref<10240xf32, #tpu.memory_space<vmem_shared>> -> memref<10240xf32, #tpu.memory_space<vmem_shared>>
        tpu.enqueue_indirect_dma source(%dma_start3A_352 : memref<128xf32, #tpu.memory_space<vmem>>) target(%dma_start3A_357 : memref<10240xf32, #tpu.memory_space<vmem_shared>>) offsets(%dma_start3A_355 : memref<128xi32, #tpu.memory_space<vmem>>) semaphore(%arg9 : memref<!tpu.dma_semaphore, #tpu.memory_space<semaphore_mem>>) {add = true}
        %mul3A_358 = arith.constant 20 : i32
        %mul3A_359 = arith.muli %scan3A_91, %mul3A_358 : i32
        %add3A_360 = arith.constant 19 : i32
        %add3A_361 = arith.addi %mul3A_359, %add3A_360 : i32
        %dma_start3A_362 = arith.constant 0 : i32
        %dma_start3A_363 = arith.constant 0 : i32
        %dma_start3A_364 = arith.constant 0 : i32
        %dma_start3A_365 = tpu.memref_slice %arg6[%dma_start3A_362, %add3A_361, %dma_start3A_364] : memref<1x100x128xf32, #tpu.memory_space<vmem>> -> memref<1x1x128xf32, #tpu.memory_space<vmem>>
        %dma_start3A_366 = tpu.memref_squeeze %dma_start3A_365 : memref<1x1x128xf32, #tpu.memory_space<vmem>> -> memref<128xf32, #tpu.memory_space<vmem>>
        %dma_start3A_367 = arith.constant 0 : i32
        %dma_start3A_368 = tpu.memref_slice %arg5[%dma_start3A_363, %add3A_361, %dma_start3A_367] : memref<1x100x128xi32, #tpu.memory_space<vmem>> -> memref<1x1x128xi32, #tpu.memory_space<vmem>>
        %dma_start3A_369 = tpu.memref_squeeze %dma_start3A_368 : memref<1x1x128xi32, #tpu.memory_space<vmem>> -> memref<128xi32, #tpu.memory_space<vmem>>
        %dma_start3A_370 = arith.constant 0 : i32
        %dma_start3A_371 = tpu.memref_slice %arg8[%dma_start3A_370] : memref<10240xf32, #tpu.memory_space<vmem_shared>> -> memref<10240xf32, #tpu.memory_space<vmem_shared>>
        tpu.enqueue_indirect_dma source(%dma_start3A_366 : memref<128xf32, #tpu.memory_space<vmem>>) target(%dma_start3A_371 : memref<10240xf32, #tpu.memory_space<vmem_shared>>) offsets(%dma_start3A_369 : memref<128xi32, #tpu.memory_space<vmem>>) semaphore(%arg9 : memref<!tpu.dma_semaphore, #tpu.memory_space<semaphore_mem>>) {add = true}
        %dma_wait3A_372 = arith.constant 0 : i32
        %dma_wait3A_373 = arith.constant 0 : i32
        %dma_wait3A_374 = arith.constant 0 : i32
        %dma_wait3A_375 = tpu.memref_slice %arg6[%dma_wait3A_372, %add3A_95, %dma_wait3A_374] : memref<1x100x128xf32, #tpu.memory_space<vmem>> -> memref<1x1x128xf32, #tpu.memory_space<vmem>>
        %dma_wait3A_376 = tpu.memref_squeeze %dma_wait3A_375 : memref<1x1x128xf32, #tpu.memory_space<vmem>> -> memref<128xf32, #tpu.memory_space<vmem>>
        %dma_wait3A_377 = arith.constant 0 : i32
        %dma_wait3A_378 = tpu.memref_slice %arg5[%dma_wait3A_373, %add3A_95, %dma_wait3A_377] : memref<1x100x128xi32, #tpu.memory_space<vmem>> -> memref<1x1x128xi32, #tpu.memory_space<vmem>>
        %dma_wait3A_379 = tpu.memref_squeeze %dma_wait3A_378 : memref<1x1x128xi32, #tpu.memory_space<vmem>> -> memref<128xi32, #tpu.memory_space<vmem>>
        %dma_wait3A_380 = arith.constant 0 : i32
        %dma_wait3A_381 = tpu.memref_slice %arg8[%dma_wait3A_380] : memref<10240xf32, #tpu.memory_space<vmem_shared>> -> memref<10240xf32, #tpu.memory_space<vmem_shared>>
        tpu.wait_indirect_dma semaphore(%arg9 : memref<!tpu.dma_semaphore, #tpu.memory_space<semaphore_mem>>) src(%dma_wait3A_376 : memref<128xf32, #tpu.memory_space<vmem>>) dst(%dma_wait3A_381 : memref<10240xf32, #tpu.memory_space<vmem_shared>>)
        %dma_wait3A_382 = arith.constant 0 : i32
        %dma_wait3A_383 = arith.constant 0 : i32
        %dma_wait3A_384 = arith.constant 0 : i32
        %dma_wait3A_385 = tpu.memref_slice %arg6[%dma_wait3A_382, %add3A_109, %dma_wait3A_384] : memref<1x100x128xf32, #tpu.memory_space<vmem>> -> memref<1x1x128xf32, #tpu.memory_space<vmem>>
        %dma_wait3A_386 = tpu.memref_squeeze %dma_wait3A_385 : memref<1x1x128xf32, #tpu.memory_space<vmem>> -> memref<128xf32, #tpu.memory_space<vmem>>
        %dma_wait3A_387 = arith.constant 0 : i32
        %dma_wait3A_388 = tpu.memref_slice %arg5[%dma_wait3A_383, %add3A_109, %dma_wait3A_387] : memref<1x100x128xi32, #tpu.memory_space<vmem>> -> memref<1x1x128xi32, #tpu.memory_space<vmem>>
        %dma_wait3A_389 = tpu.memref_squeeze %dma_wait3A_388 : memref<1x1x128xi32, #tpu.memory_space<vmem>> -> memref<128xi32, #tpu.memory_space<vmem>>
        %dma_wait3A_390 = arith.constant 0 : i32
        %dma_wait3A_391 = tpu.memref_slice %arg8[%dma_wait3A_390] : memref<10240xf32, #tpu.memory_space<vmem_shared>> -> memref<10240xf32, #tpu.memory_space<vmem_shared>>
        tpu.wait_indirect_dma semaphore(%arg9 : memref<!tpu.dma_semaphore, #tpu.memory_space<semaphore_mem>>) src(%dma_wait3A_386 : memref<128xf32, #tpu.memory_space<vmem>>) dst(%dma_wait3A_391 : memref<10240xf32, #tpu.memory_space<vmem_shared>>)
        %dma_wait3A_392 = arith.constant 0 : i32
        %dma_wait3A_393 = arith.constant 0 : i32
        %dma_wait3A_394 = arith.constant 0 : i32
        %dma_wait3A_395 = tpu.memref_slice %arg6[%dma_wait3A_392, %add3A_123, %dma_wait3A_394] : memref<1x100x128xf32, #tpu.memory_space<vmem>> -> memref<1x1x128xf32, #tpu.memory_space<vmem>>
        %dma_wait3A_396 = tpu.memref_squeeze %dma_wait3A_395 : memref<1x1x128xf32, #tpu.memory_space<vmem>> -> memref<128xf32, #tpu.memory_space<vmem>>
        %dma_wait3A_397 = arith.constant 0 : i32
        %dma_wait3A_398 = tpu.memref_slice %arg5[%dma_wait3A_393, %add3A_123, %dma_wait3A_397] : memref<1x100x128xi32, #tpu.memory_space<vmem>> -> memref<1x1x128xi32, #tpu.memory_space<vmem>>
        %dma_wait3A_399 = tpu.memref_squeeze %dma_wait3A_398 : memref<1x1x128xi32, #tpu.memory_space<vmem>> -> memref<128xi32, #tpu.memory_space<vmem>>
        %dma_wait3A_400 = arith.constant 0 : i32
        %dma_wait3A_401 = tpu.memref_slice %arg8[%dma_wait3A_400] : memref<10240xf32, #tpu.memory_space<vmem_shared>> -> memref<10240xf32, #tpu.memory_space<vmem_shared>>
        tpu.wait_indirect_dma semaphore(%arg9 : memref<!tpu.dma_semaphore, #tpu.memory_space<semaphore_mem>>) src(%dma_wait3A_396 : memref<128xf32, #tpu.memory_space<vmem>>) dst(%dma_wait3A_401 : memref<10240xf32, #tpu.memory_space<vmem_shared>>)
        %dma_wait3A_402 = arith.constant 0 : i32
        %dma_wait3A_403 = arith.constant 0 : i32
        %dma_wait3A_404 = arith.constant 0 : i32
        %dma_wait3A_405 = tpu.memref_slice %arg6[%dma_wait3A_402, %add3A_137, %dma_wait3A_404] : memref<1x100x128xf32, #tpu.memory_space<vmem>> -> memref<1x1x128xf32, #tpu.memory_space<vmem>>
        %dma_wait3A_406 = tpu.memref_squeeze %dma_wait3A_405 : memref<1x1x128xf32, #tpu.memory_space<vmem>> -> memref<128xf32, #tpu.memory_space<vmem>>
        %dma_wait3A_407 = arith.constant 0 : i32
        %dma_wait3A_408 = tpu.memref_slice %arg5[%dma_wait3A_403, %add3A_137, %dma_wait3A_407] : memref<1x100x128xi32, #tpu.memory_space<vmem>> -> memref<1x1x128xi32, #tpu.memory_space<vmem>>
        %dma_wait3A_409 = tpu.memref_squeeze %dma_wait3A_408 : memref<1x1x128xi32, #tpu.memory_space<vmem>> -> memref<128xi32, #tpu.memory_space<vmem>>
        %dma_wait3A_410 = arith.constant 0 : i32
        %dma_wait3A_411 = tpu.memref_slice %arg8[%dma_wait3A_410] : memref<10240xf32, #tpu.memory_space<vmem_shared>> -> memref<10240xf32, #tpu.memory_space<vmem_shared>>
        tpu.wait_indirect_dma semaphore(%arg9 : memref<!tpu.dma_semaphore, #tpu.memory_space<semaphore_mem>>) src(%dma_wait3A_406 : memref<128xf32, #tpu.memory_space<vmem>>) dst(%dma_wait3A_411 : memref<10240xf32, #tpu.memory_space<vmem_shared>>)
        %dma_wait3A_412 = arith.constant 0 : i32
        %dma_wait3A_413 = arith.constant 0 : i32
        %dma_wait3A_414 = arith.constant 0 : i32
        %dma_wait3A_415 = tpu.memref_slice %arg6[%dma_wait3A_412, %add3A_151, %dma_wait3A_414] : memref<1x100x128xf32, #tpu.memory_space<vmem>> -> memref<1x1x128xf32, #tpu.memory_space<vmem>>
        %dma_wait3A_416 = tpu.memref_squeeze %dma_wait3A_415 : memref<1x1x128xf32, #tpu.memory_space<vmem>> -> memref<128xf32, #tpu.memory_space<vmem>>
        %dma_wait3A_417 = arith.constant 0 : i32
        %dma_wait3A_418 = tpu.memref_slice %arg5[%dma_wait3A_413, %add3A_151, %dma_wait3A_417] : memref<1x100x128xi32, #tpu.memory_space<vmem>> -> memref<1x1x128xi32, #tpu.memory_space<vmem>>
        %dma_wait3A_419 = tpu.memref_squeeze %dma_wait3A_418 : memref<1x1x128xi32, #tpu.memory_space<vmem>> -> memref<128xi32, #tpu.memory_space<vmem>>
        %dma_wait3A_420 = arith.constant 0 : i32
        %dma_wait3A_421 = tpu.memref_slice %arg8[%dma_wait3A_420] : memref<10240xf32, #tpu.memory_space<vmem_shared>> -> memref<10240xf32, #tpu.memory_space<vmem_shared>>
        tpu.wait_indirect_dma semaphore(%arg9 : memref<!tpu.dma_semaphore, #tpu.memory_space<semaphore_mem>>) src(%dma_wait3A_416 : memref<128xf32, #tpu.memory_space<vmem>>) dst(%dma_wait3A_421 : memref<10240xf32, #tpu.memory_space<vmem_shared>>)
        %dma_wait3A_422 = arith.constant 0 : i32
        %dma_wait3A_423 = arith.constant 0 : i32
        %dma_wait3A_424 = arith.constant 0 : i32
        %dma_wait3A_425 = tpu.memref_slice %arg6[%dma_wait3A_422, %add3A_165, %dma_wait3A_424] : memref<1x100x128xf32, #tpu.memory_space<vmem>> -> memref<1x1x128xf32, #tpu.memory_space<vmem>>
        %dma_wait3A_426 = tpu.memref_squeeze %dma_wait3A_425 : memref<1x1x128xf32, #tpu.memory_space<vmem>> -> memref<128xf32, #tpu.memory_space<vmem>>
        %dma_wait3A_427 = arith.constant 0 : i32
        %dma_wait3A_428 = tpu.memref_slice %arg5[%dma_wait3A_423, %add3A_165, %dma_wait3A_427] : memref<1x100x128xi32, #tpu.memory_space<vmem>> -> memref<1x1x128xi32, #tpu.memory_space<vmem>>
        %dma_wait3A_429 = tpu.memref_squeeze %dma_wait3A_428 : memref<1x1x128xi32, #tpu.memory_space<vmem>> -> memref<128xi32, #tpu.memory_space<vmem>>
        %dma_wait3A_430 = arith.constant 0 : i32
        %dma_wait3A_431 = tpu.memref_slice %arg8[%dma_wait3A_430] : memref<10240xf32, #tpu.memory_space<vmem_shared>> -> memref<10240xf32, #tpu.memory_space<vmem_shared>>
        tpu.wait_indirect_dma semaphore(%arg9 : memref<!tpu.dma_semaphore, #tpu.memory_space<semaphore_mem>>) src(%dma_wait3A_426 : memref<128xf32, #tpu.memory_space<vmem>>) dst(%dma_wait3A_431 : memref<10240xf32, #tpu.memory_space<vmem_shared>>)
        %dma_wait3A_432 = arith.constant 0 : i32
        %dma_wait3A_433 = arith.constant 0 : i32
        %dma_wait3A_434 = arith.constant 0 : i32
        %dma_wait3A_435 = tpu.memref_slice %arg6[%dma_wait3A_432, %add3A_179, %dma_wait3A_434] : memref<1x100x128xf32, #tpu.memory_space<vmem>> -> memref<1x1x128xf32, #tpu.memory_space<vmem>>
        %dma_wait3A_436 = tpu.memref_squeeze %dma_wait3A_435 : memref<1x1x128xf32, #tpu.memory_space<vmem>> -> memref<128xf32, #tpu.memory_space<vmem>>
        %dma_wait3A_437 = arith.constant 0 : i32
        %dma_wait3A_438 = tpu.memref_slice %arg5[%dma_wait3A_433, %add3A_179, %dma_wait3A_437] : memref<1x100x128xi32, #tpu.memory_space<vmem>> -> memref<1x1x128xi32, #tpu.memory_space<vmem>>
        %dma_wait3A_439 = tpu.memref_squeeze %dma_wait3A_438 : memref<1x1x128xi32, #tpu.memory_space<vmem>> -> memref<128xi32, #tpu.memory_space<vmem>>
        %dma_wait3A_440 = arith.constant 0 : i32
        %dma_wait3A_441 = tpu.memref_slice %arg8[%dma_wait3A_440] : memref<10240xf32, #tpu.memory_space<vmem_shared>> -> memref<10240xf32, #tpu.memory_space<vmem_shared>>
        tpu.wait_indirect_dma semaphore(%arg9 : memref<!tpu.dma_semaphore, #tpu.memory_space<semaphore_mem>>) src(%dma_wait3A_436 : memref<128xf32, #tpu.memory_space<vmem>>) dst(%dma_wait3A_441 : memref<10240xf32, #tpu.memory_space<vmem_shared>>)
        %dma_wait3A_442 = arith.constant 0 : i32
        %dma_wait3A_443 = arith.constant 0 : i32
        %dma_wait3A_444 = arith.constant 0 : i32
        %dma_wait3A_445 = tpu.memref_slice %arg6[%dma_wait3A_442, %add3A_193, %dma_wait3A_444] : memref<1x100x128xf32, #tpu.memory_space<vmem>> -> memref<1x1x128xf32, #tpu.memory_space<vmem>>
        %dma_wait3A_446 = tpu.memref_squeeze %dma_wait3A_445 : memref<1x1x128xf32, #tpu.memory_space<vmem>> -> memref<128xf32, #tpu.memory_space<vmem>>
        %dma_wait3A_447 = arith.constant 0 : i32
        %dma_wait3A_448 = tpu.memref_slice %arg5[%dma_wait3A_443, %add3A_193, %dma_wait3A_447] : memref<1x100x128xi32, #tpu.memory_space<vmem>> -> memref<1x1x128xi32, #tpu.memory_space<vmem>>
        %dma_wait3A_449 = tpu.memref_squeeze %dma_wait3A_448 : memref<1x1x128xi32, #tpu.memory_space<vmem>> -> memref<128xi32, #tpu.memory_space<vmem>>
        %dma_wait3A_450 = arith.constant 0 : i32
        %dma_wait3A_451 = tpu.memref_slice %arg8[%dma_wait3A_450] : memref<10240xf32, #tpu.memory_space<vmem_shared>> -> memref<10240xf32, #tpu.memory_space<vmem_shared>>
        tpu.wait_indirect_dma semaphore(%arg9 : memref<!tpu.dma_semaphore, #tpu.memory_space<semaphore_mem>>) src(%dma_wait3A_446 : memref<128xf32, #tpu.memory_space<vmem>>) dst(%dma_wait3A_451 : memref<10240xf32, #tpu.memory_space<vmem_shared>>)
        %dma_wait3A_452 = arith.constant 0 : i32
        %dma_wait3A_453 = arith.constant 0 : i32
        %dma_wait3A_454 = arith.constant 0 : i32
        %dma_wait3A_455 = tpu.memref_slice %arg6[%dma_wait3A_452, %add3A_207, %dma_wait3A_454] : memref<1x100x128xf32, #tpu.memory_space<vmem>> -> memref<1x1x128xf32, #tpu.memory_space<vmem>>
        %dma_wait3A_456 = tpu.memref_squeeze %dma_wait3A_455 : memref<1x1x128xf32, #tpu.memory_space<vmem>> -> memref<128xf32, #tpu.memory_space<vmem>>
        %dma_wait3A_457 = arith.constant 0 : i32
        %dma_wait3A_458 = tpu.memref_slice %arg5[%dma_wait3A_453, %add3A_207, %dma_wait3A_457] : memref<1x100x128xi32, #tpu.memory_space<vmem>> -> memref<1x1x128xi32, #tpu.memory_space<vmem>>
        %dma_wait3A_459 = tpu.memref_squeeze %dma_wait3A_458 : memref<1x1x128xi32, #tpu.memory_space<vmem>> -> memref<128xi32, #tpu.memory_space<vmem>>
        %dma_wait3A_460 = arith.constant 0 : i32
        %dma_wait3A_461 = tpu.memref_slice %arg8[%dma_wait3A_460] : memref<10240xf32, #tpu.memory_space<vmem_shared>> -> memref<10240xf32, #tpu.memory_space<vmem_shared>>
        tpu.wait_indirect_dma semaphore(%arg9 : memref<!tpu.dma_semaphore, #tpu.memory_space<semaphore_mem>>) src(%dma_wait3A_456 : memref<128xf32, #tpu.memory_space<vmem>>) dst(%dma_wait3A_461 : memref<10240xf32, #tpu.memory_space<vmem_shared>>)
        %dma_wait3A_462 = arith.constant 0 : i32
        %dma_wait3A_463 = arith.constant 0 : i32
        %dma_wait3A_464 = arith.constant 0 : i32
        %dma_wait3A_465 = tpu.memref_slice %arg6[%dma_wait3A_462, %add3A_221, %dma_wait3A_464] : memref<1x100x128xf32, #tpu.memory_space<vmem>> -> memref<1x1x128xf32, #tpu.memory_space<vmem>>
        %dma_wait3A_466 = tpu.memref_squeeze %dma_wait3A_465 : memref<1x1x128xf32, #tpu.memory_space<vmem>> -> memref<128xf32, #tpu.memory_space<vmem>>
        %dma_wait3A_467 = arith.constant 0 : i32
        %dma_wait3A_468 = tpu.memref_slice %arg5[%dma_wait3A_463, %add3A_221, %dma_wait3A_467] : memref<1x100x128xi32, #tpu.memory_space<vmem>> -> memref<1x1x128xi32, #tpu.memory_space<vmem>>
        %dma_wait3A_469 = tpu.memref_squeeze %dma_wait3A_468 : memref<1x1x128xi32, #tpu.memory_space<vmem>> -> memref<128xi32, #tpu.memory_space<vmem>>
        %dma_wait3A_470 = arith.constant 0 : i32
        %dma_wait3A_471 = tpu.memref_slice %arg8[%dma_wait3A_470] : memref<10240xf32, #tpu.memory_space<vmem_shared>> -> memref<10240xf32, #tpu.memory_space<vmem_shared>>
        tpu.wait_indirect_dma semaphore(%arg9 : memref<!tpu.dma_semaphore, #tpu.memory_space<semaphore_mem>>) src(%dma_wait3A_466 : memref<128xf32, #tpu.memory_space<vmem>>) dst(%dma_wait3A_471 : memref<10240xf32, #tpu.memory_space<vmem_shared>>)
        %dma_wait3A_472 = arith.constant 0 : i32
        %dma_wait3A_473 = arith.constant 0 : i32
        %dma_wait3A_474 = arith.constant 0 : i32
        %dma_wait3A_475 = tpu.memref_slice %arg6[%dma_wait3A_472, %add3A_235, %dma_wait3A_474] : memref<1x100x128xf32, #tpu.memory_space<vmem>> -> memref<1x1x128xf32, #tpu.memory_space<vmem>>
        %dma_wait3A_476 = tpu.memref_squeeze %dma_wait3A_475 : memref<1x1x128xf32, #tpu.memory_space<vmem>> -> memref<128xf32, #tpu.memory_space<vmem>>
        %dma_wait3A_477 = arith.constant 0 : i32
        %dma_wait3A_478 = tpu.memref_slice %arg5[%dma_wait3A_473, %add3A_235, %dma_wait3A_477] : memref<1x100x128xi32, #tpu.memory_space<vmem>> -> memref<1x1x128xi32, #tpu.memory_space<vmem>>
        %dma_wait3A_479 = tpu.memref_squeeze %dma_wait3A_478 : memref<1x1x128xi32, #tpu.memory_space<vmem>> -> memref<128xi32, #tpu.memory_space<vmem>>
        %dma_wait3A_480 = arith.constant 0 : i32
        %dma_wait3A_481 = tpu.memref_slice %arg8[%dma_wait3A_480] : memref<10240xf32, #tpu.memory_space<vmem_shared>> -> memref<10240xf32, #tpu.memory_space<vmem_shared>>
        tpu.wait_indirect_dma semaphore(%arg9 : memref<!tpu.dma_semaphore, #tpu.memory_space<semaphore_mem>>) src(%dma_wait3A_476 : memref<128xf32, #tpu.memory_space<vmem>>) dst(%dma_wait3A_481 : memref<10240xf32, #tpu.memory_space<vmem_shared>>)
        %dma_wait3A_482 = arith.constant 0 : i32
        %dma_wait3A_483 = arith.constant 0 : i32
        %dma_wait3A_484 = arith.constant 0 : i32
        %dma_wait3A_485 = tpu.memref_slice %arg6[%dma_wait3A_482, %add3A_249, %dma_wait3A_484] : memref<1x100x128xf32, #tpu.memory_space<vmem>> -> memref<1x1x128xf32, #tpu.memory_space<vmem>>
        %dma_wait3A_486 = tpu.memref_squeeze %dma_wait3A_485 : memref<1x1x128xf32, #tpu.memory_space<vmem>> -> memref<128xf32, #tpu.memory_space<vmem>>
        %dma_wait3A_487 = arith.constant 0 : i32
        %dma_wait3A_488 = tpu.memref_slice %arg5[%dma_wait3A_483, %add3A_249, %dma_wait3A_487] : memref<1x100x128xi32, #tpu.memory_space<vmem>> -> memref<1x1x128xi32, #tpu.memory_space<vmem>>
        %dma_wait3A_489 = tpu.memref_squeeze %dma_wait3A_488 : memref<1x1x128xi32, #tpu.memory_space<vmem>> -> memref<128xi32, #tpu.memory_space<vmem>>
        %dma_wait3A_490 = arith.constant 0 : i32
        %dma_wait3A_491 = tpu.memref_slice %arg8[%dma_wait3A_490] : memref<10240xf32, #tpu.memory_space<vmem_shared>> -> memref<10240xf32, #tpu.memory_space<vmem_shared>>
        tpu.wait_indirect_dma semaphore(%arg9 : memref<!tpu.dma_semaphore, #tpu.memory_space<semaphore_mem>>) src(%dma_wait3A_486 : memref<128xf32, #tpu.memory_space<vmem>>) dst(%dma_wait3A_491 : memref<10240xf32, #tpu.memory_space<vmem_shared>>)
        %dma_wait3A_492 = arith.constant 0 : i32
        %dma_wait3A_493 = arith.constant 0 : i32
        %dma_wait3A_494 = arith.constant 0 : i32
        %dma_wait3A_495 = tpu.memref_slice %arg6[%dma_wait3A_492, %add3A_263, %dma_wait3A_494] : memref<1x100x128xf32, #tpu.memory_space<vmem>> -> memref<1x1x128xf32, #tpu.memory_space<vmem>>
        %dma_wait3A_496 = tpu.memref_squeeze %dma_wait3A_495 : memref<1x1x128xf32, #tpu.memory_space<vmem>> -> memref<128xf32, #tpu.memory_space<vmem>>
        %dma_wait3A_497 = arith.constant 0 : i32
        %dma_wait3A_498 = tpu.memref_slice %arg5[%dma_wait3A_493, %add3A_263, %dma_wait3A_497] : memref<1x100x128xi32, #tpu.memory_space<vmem>> -> memref<1x1x128xi32, #tpu.memory_space<vmem>>
        %dma_wait3A_499 = tpu.memref_squeeze %dma_wait3A_498 : memref<1x1x128xi32, #tpu.memory_space<vmem>> -> memref<128xi32, #tpu.memory_space<vmem>>
        %dma_wait3A_500 = arith.constant 0 : i32
        %dma_wait3A_501 = tpu.memref_slice %arg8[%dma_wait3A_500] : memref<10240xf32, #tpu.memory_space<vmem_shared>> -> memref<10240xf32, #tpu.memory_space<vmem_shared>>
        tpu.wait_indirect_dma semaphore(%arg9 : memref<!tpu.dma_semaphore, #tpu.memory_space<semaphore_mem>>) src(%dma_wait3A_496 : memref<128xf32, #tpu.memory_space<vmem>>) dst(%dma_wait3A_501 : memref<10240xf32, #tpu.memory_space<vmem_shared>>)
        %dma_wait3A_502 = arith.constant 0 : i32
        %dma_wait3A_503 = arith.constant 0 : i32
        %dma_wait3A_504 = arith.constant 0 : i32
        %dma_wait3A_505 = tpu.memref_slice %arg6[%dma_wait3A_502, %add3A_277, %dma_wait3A_504] : memref<1x100x128xf32, #tpu.memory_space<vmem>> -> memref<1x1x128xf32, #tpu.memory_space<vmem>>
        %dma_wait3A_506 = tpu.memref_squeeze %dma_wait3A_505 : memref<1x1x128xf32, #tpu.memory_space<vmem>> -> memref<128xf32, #tpu.memory_space<vmem>>
        %dma_wait3A_507 = arith.constant 0 : i32
        %dma_wait3A_508 = tpu.memref_slice %arg5[%dma_wait3A_503, %add3A_277, %dma_wait3A_507] : memref<1x100x128xi32, #tpu.memory_space<vmem>> -> memref<1x1x128xi32, #tpu.memory_space<vmem>>
        %dma_wait3A_509 = tpu.memref_squeeze %dma_wait3A_508 : memref<1x1x128xi32, #tpu.memory_space<vmem>> -> memref<128xi32, #tpu.memory_space<vmem>>
        %dma_wait3A_510 = arith.constant 0 : i32
        %dma_wait3A_511 = tpu.memref_slice %arg8[%dma_wait3A_510] : memref<10240xf32, #tpu.memory_space<vmem_shared>> -> memref<10240xf32, #tpu.memory_space<vmem_shared>>
        tpu.wait_indirect_dma semaphore(%arg9 : memref<!tpu.dma_semaphore, #tpu.memory_space<semaphore_mem>>) src(%dma_wait3A_506 : memref<128xf32, #tpu.memory_space<vmem>>) dst(%dma_wait3A_511 : memref<10240xf32, #tpu.memory_space<vmem_shared>>)
        %dma_wait3A_512 = arith.constant 0 : i32
        %dma_wait3A_513 = arith.constant 0 : i32
        %dma_wait3A_514 = arith.constant 0 : i32
        %dma_wait3A_515 = tpu.memref_slice %arg6[%dma_wait3A_512, %add3A_291, %dma_wait3A_514] : memref<1x100x128xf32, #tpu.memory_space<vmem>> -> memref<1x1x128xf32, #tpu.memory_space<vmem>>
        %dma_wait3A_516 = tpu.memref_squeeze %dma_wait3A_515 : memref<1x1x128xf32, #tpu.memory_space<vmem>> -> memref<128xf32, #tpu.memory_space<vmem>>
        %dma_wait3A_517 = arith.constant 0 : i32
        %dma_wait3A_518 = tpu.memref_slice %arg5[%dma_wait3A_513, %add3A_291, %dma_wait3A_517] : memref<1x100x128xi32, #tpu.memory_space<vmem>> -> memref<1x1x128xi32, #tpu.memory_space<vmem>>
        %dma_wait3A_519 = tpu.memref_squeeze %dma_wait3A_518 : memref<1x1x128xi32, #tpu.memory_space<vmem>> -> memref<128xi32, #tpu.memory_space<vmem>>
        %dma_wait3A_520 = arith.constant 0 : i32
        %dma_wait3A_521 = tpu.memref_slice %arg8[%dma_wait3A_520] : memref<10240xf32, #tpu.memory_space<vmem_shared>> -> memref<10240xf32, #tpu.memory_space<vmem_shared>>
        tpu.wait_indirect_dma semaphore(%arg9 : memref<!tpu.dma_semaphore, #tpu.memory_space<semaphore_mem>>) src(%dma_wait3A_516 : memref<128xf32, #tpu.memory_space<vmem>>) dst(%dma_wait3A_521 : memref<10240xf32, #tpu.memory_space<vmem_shared>>)
        %dma_wait3A_522 = arith.constant 0 : i32
        %dma_wait3A_523 = arith.constant 0 : i32
        %dma_wait3A_524 = arith.constant 0 : i32
        %dma_wait3A_525 = tpu.memref_slice %arg6[%dma_wait3A_522, %add3A_305, %dma_wait3A_524] : memref<1x100x128xf32, #tpu.memory_space<vmem>> -> memref<1x1x128xf32, #tpu.memory_space<vmem>>
        %dma_wait3A_526 = tpu.memref_squeeze %dma_wait3A_525 : memref<1x1x128xf32, #tpu.memory_space<vmem>> -> memref<128xf32, #tpu.memory_space<vmem>>
        %dma_wait3A_527 = arith.constant 0 : i32
        %dma_wait3A_528 = tpu.memref_slice %arg5[%dma_wait3A_523, %add3A_305, %dma_wait3A_527] : memref<1x100x128xi32, #tpu.memory_space<vmem>> -> memref<1x1x128xi32, #tpu.memory_space<vmem>>
        %dma_wait3A_529 = tpu.memref_squeeze %dma_wait3A_528 : memref<1x1x128xi32, #tpu.memory_space<vmem>> -> memref<128xi32, #tpu.memory_space<vmem>>
        %dma_wait3A_530 = arith.constant 0 : i32
        %dma_wait3A_531 = tpu.memref_slice %arg8[%dma_wait3A_530] : memref<10240xf32, #tpu.memory_space<vmem_shared>> -> memref<10240xf32, #tpu.memory_space<vmem_shared>>
        tpu.wait_indirect_dma semaphore(%arg9 : memref<!tpu.dma_semaphore, #tpu.memory_space<semaphore_mem>>) src(%dma_wait3A_526 : memref<128xf32, #tpu.memory_space<vmem>>) dst(%dma_wait3A_531 : memref<10240xf32, #tpu.memory_space<vmem_shared>>)
        %dma_wait3A_532 = arith.constant 0 : i32
        %dma_wait3A_533 = arith.constant 0 : i32
        %dma_wait3A_534 = arith.constant 0 : i32
        %dma_wait3A_535 = tpu.memref_slice %arg6[%dma_wait3A_532, %add3A_319, %dma_wait3A_534] : memref<1x100x128xf32, #tpu.memory_space<vmem>> -> memref<1x1x128xf32, #tpu.memory_space<vmem>>
        %dma_wait3A_536 = tpu.memref_squeeze %dma_wait3A_535 : memref<1x1x128xf32, #tpu.memory_space<vmem>> -> memref<128xf32, #tpu.memory_space<vmem>>
        %dma_wait3A_537 = arith.constant 0 : i32
        %dma_wait3A_538 = tpu.memref_slice %arg5[%dma_wait3A_533, %add3A_319, %dma_wait3A_537] : memref<1x100x128xi32, #tpu.memory_space<vmem>> -> memref<1x1x128xi32, #tpu.memory_space<vmem>>
        %dma_wait3A_539 = tpu.memref_squeeze %dma_wait3A_538 : memref<1x1x128xi32, #tpu.memory_space<vmem>> -> memref<128xi32, #tpu.memory_space<vmem>>
        %dma_wait3A_540 = arith.constant 0 : i32
        %dma_wait3A_541 = tpu.memref_slice %arg8[%dma_wait3A_540] : memref<10240xf32, #tpu.memory_space<vmem_shared>> -> memref<10240xf32, #tpu.memory_space<vmem_shared>>
        tpu.wait_indirect_dma semaphore(%arg9 : memref<!tpu.dma_semaphore, #tpu.memory_space<semaphore_mem>>) src(%dma_wait3A_536 : memref<128xf32, #tpu.memory_space<vmem>>) dst(%dma_wait3A_541 : memref<10240xf32, #tpu.memory_space<vmem_shared>>)
        %dma_wait3A_542 = arith.constant 0 : i32
        %dma_wait3A_543 = arith.constant 0 : i32
        %dma_wait3A_544 = arith.constant 0 : i32
        %dma_wait3A_545 = tpu.memref_slice %arg6[%dma_wait3A_542, %add3A_333, %dma_wait3A_544] : memref<1x100x128xf32, #tpu.memory_space<vmem>> -> memref<1x1x128xf32, #tpu.memory_space<vmem>>
        %dma_wait3A_546 = tpu.memref_squeeze %dma_wait3A_545 : memref<1x1x128xf32, #tpu.memory_space<vmem>> -> memref<128xf32, #tpu.memory_space<vmem>>
        %dma_wait3A_547 = arith.constant 0 : i32
        %dma_wait3A_548 = tpu.memref_slice %arg5[%dma_wait3A_543, %add3A_333, %dma_wait3A_547] : memref<1x100x128xi32, #tpu.memory_space<vmem>> -> memref<1x1x128xi32, #tpu.memory_space<vmem>>
        %dma_wait3A_549 = tpu.memref_squeeze %dma_wait3A_548 : memref<1x1x128xi32, #tpu.memory_space<vmem>> -> memref<128xi32, #tpu.memory_space<vmem>>
        %dma_wait3A_550 = arith.constant 0 : i32
        %dma_wait3A_551 = tpu.memref_slice %arg8[%dma_wait3A_550] : memref<10240xf32, #tpu.memory_space<vmem_shared>> -> memref<10240xf32, #tpu.memory_space<vmem_shared>>
        tpu.wait_indirect_dma semaphore(%arg9 : memref<!tpu.dma_semaphore, #tpu.memory_space<semaphore_mem>>) src(%dma_wait3A_546 : memref<128xf32, #tpu.memory_space<vmem>>) dst(%dma_wait3A_551 : memref<10240xf32, #tpu.memory_space<vmem_shared>>)
        %dma_wait3A_552 = arith.constant 0 : i32
        %dma_wait3A_553 = arith.constant 0 : i32
        %dma_wait3A_554 = arith.constant 0 : i32
        %dma_wait3A_555 = tpu.memref_slice %arg6[%dma_wait3A_552, %add3A_347, %dma_wait3A_554] : memref<1x100x128xf32, #tpu.memory_space<vmem>> -> memref<1x1x128xf32, #tpu.memory_space<vmem>>
        %dma_wait3A_556 = tpu.memref_squeeze %dma_wait3A_555 : memref<1x1x128xf32, #tpu.memory_space<vmem>> -> memref<128xf32, #tpu.memory_space<vmem>>
        %dma_wait3A_557 = arith.constant 0 : i32
        %dma_wait3A_558 = tpu.memref_slice %arg5[%dma_wait3A_553, %add3A_347, %dma_wait3A_557] : memref<1x100x128xi32, #tpu.memory_space<vmem>> -> memref<1x1x128xi32, #tpu.memory_space<vmem>>
        %dma_wait3A_559 = tpu.memref_squeeze %dma_wait3A_558 : memref<1x1x128xi32, #tpu.memory_space<vmem>> -> memref<128xi32, #tpu.memory_space<vmem>>
        %dma_wait3A_560 = arith.constant 0 : i32
        %dma_wait3A_561 = tpu.memref_slice %arg8[%dma_wait3A_560] : memref<10240xf32, #tpu.memory_space<vmem_shared>> -> memref<10240xf32, #tpu.memory_space<vmem_shared>>
        tpu.wait_indirect_dma semaphore(%arg9 : memref<!tpu.dma_semaphore, #tpu.memory_space<semaphore_mem>>) src(%dma_wait3A_556 : memref<128xf32, #tpu.memory_space<vmem>>) dst(%dma_wait3A_561 : memref<10240xf32, #tpu.memory_space<vmem_shared>>)
        %dma_wait3A_562 = arith.constant 0 : i32
        %dma_wait3A_563 = arith.constant 0 : i32
        %dma_wait3A_564 = arith.constant 0 : i32
        %dma_wait3A_565 = tpu.memref_slice %arg6[%dma_wait3A_562, %add3A_361, %dma_wait3A_564] : memref<1x100x128xf32, #tpu.memory_space<vmem>> -> memref<1x1x128xf32, #tpu.memory_space<vmem>>
        %dma_wait3A_566 = tpu.memref_squeeze %dma_wait3A_565 : memref<1x1x128xf32, #tpu.memory_space<vmem>> -> memref<128xf32, #tpu.memory_space<vmem>>
        %dma_wait3A_567 = arith.constant 0 : i32
        %dma_wait3A_568 = tpu.memref_slice %arg5[%dma_wait3A_563, %add3A_361, %dma_wait3A_567] : memref<1x100x128xi32, #tpu.memory_space<vmem>> -> memref<1x1x128xi32, #tpu.memory_space<vmem>>
        %dma_wait3A_569 = tpu.memref_squeeze %dma_wait3A_568 : memref<1x1x128xi32, #tpu.memory_space<vmem>> -> memref<128xi32, #tpu.memory_space<vmem>>
        %dma_wait3A_570 = arith.constant 0 : i32
        %dma_wait3A_571 = tpu.memref_slice %arg8[%dma_wait3A_570] : memref<10240xf32, #tpu.memory_space<vmem_shared>> -> memref<10240xf32, #tpu.memory_space<vmem_shared>>
        tpu.wait_indirect_dma semaphore(%arg9 : memref<!tpu.dma_semaphore, #tpu.memory_space<semaphore_mem>>) src(%dma_wait3A_566 : memref<128xf32, #tpu.memory_space<vmem>>) dst(%dma_wait3A_571 : memref<10240xf32, #tpu.memory_space<vmem_shared>>)
      }
      %scan3A_90 = arith.constant 5 : i32
    } else {
    }
    %barrier3A_82 = arith.constant 0 : index
    tpu.barrier barrier_id(%barrier3A_82)
    %mul3A_83 = arith.constant 640 : i32
    %mul3A_84 = arith.muli %arg1, %mul3A_83 : i32
    "tpu.region"() ({
      %run_scoped3A = tpu.sem_alloc : memref<!tpu.dma_semaphore, #tpu.memory_space<semaphore_mem>>
      %dma_start3A_85 = arith.constant 0 : i32
      %dma_start3A_86 = tpu.memref_slice %arg4[%arg0, %arg1, %dma_start3A_85] : memref<2x16x640xf32, #tpu.memory_space<hbm>> -> memref<1x1x640xf32, #tpu.memory_space<hbm>>
      %dma_start3A_87 = tpu.memref_squeeze %dma_start3A_86 : memref<1x1x640xf32, #tpu.memory_space<hbm>> -> memref<640xf32, #tpu.memory_space<hbm>>
      %dma_start3A_88 = tpu.memref_slice %arg8[%mul3A_84] : memref<10240xf32, #tpu.memory_space<vmem_shared>> -> memref<640xf32, #tpu.memory_space<vmem_shared>>
      tpu.enqueue_dma source(%dma_start3A_88 : memref<640xf32, #tpu.memory_space<vmem_shared>>) target(%dma_start3A_87 : memref<640xf32, #tpu.memory_space<hbm>>) target_semaphore(%run_scoped3A : memref<!tpu.dma_semaphore, #tpu.memory_space<semaphore_mem>>)
      %dma_wait3A_89 = arith.constant 0 : i32
      %dma_wait3A_90 = tpu.memref_slice %arg4[%arg0, %arg1, %dma_wait3A_89] : memref<2x16x640xf32, #tpu.memory_space<hbm>> -> memref<1x1x640xf32, #tpu.memory_space<hbm>>
      %dma_wait3A_91 = tpu.memref_squeeze %dma_wait3A_90 : memref<1x1x640xf32, #tpu.memory_space<hbm>> -> memref<640xf32, #tpu.memory_space<hbm>>
      %dma_wait3A_92 = tpu.memref_slice %arg8[%mul3A_84] : memref<10240xf32, #tpu.memory_space<vmem_shared>> -> memref<640xf32, #tpu.memory_space<vmem_shared>>
      tpu.wait_dma2 semaphore(%run_scoped3A : memref<!tpu.dma_semaphore, #tpu.memory_space<semaphore_mem>>) src(%dma_wait3A_92 : memref<640xf32, #tpu.memory_space<vmem_shared>>) dst(%dma_wait3A_91 : memref<640xf32, #tpu.memory_space<hbm>>)
      tpu.yield
    }) : () -> ()
    return
  }
}

module attributes {stable_mosaic.version = 14 : i64} {
  func.func @_mlp_body(%arg0: i32, %arg1: memref<12800x128xf32, #tpu.memory_space<vmem>>, %arg2: memref<128x64xf32, #tpu.memory_space<vmem>>, %arg3: memref<64x64xf32, #tpu.memory_space<vmem>>, %arg4: memref<1x64xf32, #tpu.memory_space<vmem>>, %arg5: memref<1x100x128xf32, #tpu.memory_space<vmem>>) attributes {dimension_semantics = [#tpu.dimension_semantics<arbitrary>], iteration_bounds = array<i64: 25>, scalar_prefetch = 0 : i64, scratch_operands = 0 : i64, tpu.core_type = #tpu.core_type<tc>, window_params = [{transform_indices = @transform_0, window_bounds = array<i64: 12800, 128>}, {pipeline_mode = #tpu.pipeline_mode<synchronous>, transform_indices = @transform_1, window_bounds = array<i64: 128, 64>}, {pipeline_mode = #tpu.pipeline_mode<synchronous>, transform_indices = @transform_2, window_bounds = array<i64: 64, 64>}, {pipeline_mode = #tpu.pipeline_mode<synchronous>, transform_indices = @transform_3, window_bounds = array<i64: 1, 64>}, {transform_indices = @transform_4, window_bounds = array<i64: 1, 100, 128>}]} {
    %get3A = arith.constant 0 : index
    %get3A_0 = arith.constant 0 : index
    %get3A_1 = vector.load %arg1[%get3A, %get3A_0] : memref<12800x128xf32, #tpu.memory_space<vmem>>, vector<12800x128xf32>
    %get3A_2 = arith.constant 0 : index
    %get3A_3 = arith.constant 0 : index
    %get3A_4 = vector.load %arg2[%get3A_2, %get3A_3] : memref<128x64xf32, #tpu.memory_space<vmem>>, vector<128x64xf32>
    %dot_general3A = arith.constant dense<0.000000e+00> : vector<12800x64xf32>
    %dot_general3A_5 = tpu.matmul %get3A_1, %get3A_4, %dot_general3A {dimension_numbers = #tpu.dot_dimension_numbers<[1], [0], [0], [1], [0, 0, 1, 1], [], []>, transpose_lhs_hint = false} : vector<12800x128xf32>, vector<128x64xf32>, vector<12800x64xf32> -> vector<12800x64xf32>
    %mul3A = arith.constant 5.000000e-01 : f32
    %mul3A_6 = vector.broadcast %mul3A : f32 to vector<12800x64xf32>
    %mul3A_7 = arith.mulf %mul3A_6, %dot_general3A_5 : vector<12800x64xf32>
    %tanh3A = math.tanh %mul3A_7 : vector<12800x64xf32>
    %add3A = arith.constant 1.000000e+00 : f32
    %add3A_8 = vector.broadcast %add3A : f32 to vector<12800x64xf32>
    %add3A_9 = arith.addf %tanh3A, %add3A_8 : vector<12800x64xf32>
    %mul3A_10 = arith.mulf %mul3A_7, %add3A_9 : vector<12800x64xf32>
    %get3A_11 = arith.constant 0 : index
    %get3A_12 = arith.constant 0 : index
    %get3A_13 = vector.load %arg3[%get3A_11, %get3A_12] : memref<64x64xf32, #tpu.memory_space<vmem>>, vector<64x64xf32>
    %dot_general3A_14 = arith.constant dense<0.000000e+00> : vector<12800x64xf32>
    %dot_general3A_15 = tpu.matmul %mul3A_10, %get3A_13, %dot_general3A_14 {dimension_numbers = #tpu.dot_dimension_numbers<[1], [0], [0], [1], [0, 0, 1, 1], [], []>, transpose_lhs_hint = false} : vector<12800x64xf32>, vector<64x64xf32>, vector<12800x64xf32> -> vector<12800x64xf32>
    %mul3A_16 = arith.constant 5.000000e-01 : f32
    %mul3A_17 = vector.broadcast %mul3A_16 : f32 to vector<12800x64xf32>
    %mul3A_18 = arith.mulf %mul3A_17, %dot_general3A_15 : vector<12800x64xf32>
    %tanh3A_19 = math.tanh %mul3A_18 : vector<12800x64xf32>
    %add3A_20 = arith.constant 1.000000e+00 : f32
    %add3A_21 = vector.broadcast %add3A_20 : f32 to vector<12800x64xf32>
    %add3A_22 = arith.addf %tanh3A_19, %add3A_21 : vector<12800x64xf32>
    %mul3A_23 = arith.mulf %mul3A_18, %add3A_22 : vector<12800x64xf32>
    %get3A_24 = arith.constant 0 : index
    %get3A_25 = arith.constant 0 : index
    %get3A_26 = vector.load %arg4[%get3A_24, %get3A_25] : memref<1x64xf32, #tpu.memory_space<vmem>>, vector<1x64xf32>
    %transpose3A = tpu.transpose %mul3A_23, [1, 0] : vector<12800x64xf32> -> vector<64x12800xf32>
    %dot_general3A_27 = arith.constant dense<0.000000e+00> : vector<1x12800xf32>
    %dot_general3A_28 = tpu.matmul %get3A_26, %transpose3A, %dot_general3A_27 {dimension_numbers = #tpu.dot_dimension_numbers<[1], [0], [0], [1], [0, 0, 1, 1], [], []>, transpose_lhs_hint = false} : vector<1x64xf32>, vector<64x12800xf32>, vector<1x12800xf32> -> vector<1x12800xf32>
    %reshape3A = vector.shape_cast %dot_general3A_28 : vector<1x12800xf32> to vector<1x100x128xf32>
    %swap3A = arith.constant 0 : index
    %swap3A_29 = arith.constant 0 : index
    %swap3A_30 = arith.constant 0 : index
    %swap3A_31 = vector.load %arg5[%swap3A, %swap3A_29, %swap3A_30] : memref<1x100x128xf32, #tpu.memory_space<vmem>>, vector<1x100x128xf32>
    tpu.vector_store %arg5[%swap3A, %swap3A_29, %swap3A_30], %reshape3A {strides = array<i32>} : memref<1x100x128xf32, #tpu.memory_space<vmem>>, vector<1x100x128xf32>,
    return
  }
  func.func @transform_0(%arg0: i32) -> (i32, i32) {
    %add3A = arith.constant 0 : i32
    %add3A_0 = arith.addi %arg0, %add3A : i32
    %c0_i32 = arith.constant 0 : i32
    %c0_i32_1 = arith.constant 0 : i32
    return %add3A_0, %c0_i32 : i32, i32
  }
  func.func @transform_1(%arg0: i32) -> (i32, i32) {
    %c0_i32 = arith.constant 0 : i32
    %c0_i32_0 = arith.constant 0 : i32
    %c0_i32_1 = arith.constant 0 : i32
    return %c0_i32, %c0_i32_0 : i32, i32
  }
  func.func @transform_2(%arg0: i32) -> (i32, i32) {
    %c0_i32 = arith.constant 0 : i32
    %c0_i32_0 = arith.constant 0 : i32
    %c0_i32_1 = arith.constant 0 : i32
    return %c0_i32, %c0_i32_0 : i32, i32
  }
  func.func @transform_3(%arg0: i32) -> (i32, i32) {
    %c0_i32 = arith.constant 0 : i32
    %c0_i32_0 = arith.constant 0 : i32
    %c0_i32_1 = arith.constant 0 : i32
    return %c0_i32, %c0_i32_0 : i32, i32
  }
  func.func @transform_4(%arg0: i32) -> (i32, i32, i32) {
    %c0_i32 = arith.constant 0 : i32
    %c0_i32_0 = arith.constant 0 : i32
    %c0_i32_1 = arith.constant 0 : i32
    return %arg0, %c0_i32, %c0_i32_0 : i32, i32, i32
  }
}

module attributes {stable_mosaic.version = 14 : i64} {
  func.func @_comb_body(%arg0: memref<2x16x640xf32, #tpu.memory_space<vmem>>, %arg1: memref<16x640xf32, #tpu.memory_space<vmem>>) attributes {dimension_semantics = [], scalar_prefetch = 0 : i64, scratch_operands = 0 : i64, tpu.core_type = #tpu.core_type<tc>} {
    %get3A = arith.constant 0 : index
    %get3A_0 = arith.constant 0 : index
    %get3A_1 = arith.constant 0 : index
    %get3A_2 = vector.load %arg0[%get3A, %get3A_0, %get3A_1] : memref<2x16x640xf32, #tpu.memory_space<vmem>>, vector<1x16x640xf32>
    %get3A_3 = vector.shape_cast %get3A_2 : vector<1x16x640xf32> to vector<16x640xf32>
    %get3A_4 = arith.constant 1 : index
    %get3A_5 = arith.constant 0 : index
    %get3A_6 = arith.constant 0 : index
    %get3A_7 = vector.load %arg0[%get3A_4, %get3A_5, %get3A_6] : memref<2x16x640xf32, #tpu.memory_space<vmem>>, vector<1x16x640xf32>
    %get3A_8 = vector.shape_cast %get3A_7 : vector<1x16x640xf32> to vector<16x640xf32>
    %add3A = arith.addf %get3A_3, %get3A_8 : vector<16x640xf32>
    %add3A_9 = arith.constant 1.200000e-01 : f32
    %add3A_10 = vector.broadcast %add3A_9 : f32 to vector<16x640xf32>
    %add3A_11 = arith.addf %add3A, %add3A_10 : vector<16x640xf32>
    %swap3A = arith.constant 0 : index
    %swap3A_12 = arith.constant 0 : index
    %swap3A_13 = vector.load %arg1[%swap3A, %swap3A_12] : memref<16x640xf32, #tpu.memory_space<vmem>>, vector<16x640xf32>
    tpu.vector_store %arg1[%swap3A, %swap3A_12], %add3A_11 {strides = array<i32>} : memref<16x640xf32, #tpu.memory_space<vmem>>, vector<16x640xf32>,
    return
  }
}

</mosaic_0001>

<sc_bundles>
// kernel: kernel.5.cloned.1.call-start
scs
__scs_entry_jumppad:
0x0: {  	(pc) =	sbr.rel $0x88, $3  }
0x1: {  	(tag) =	ssettag $0x0;
	lr =	simm.s32 $0x1  }
0x2: {  	[smem:$0x3F9C] =	sst lr;
	_ =	strace $0xD0000000  }
0x3: {  	_ = 	snop  }
0x4: {  	_ = 	snop  }
0x5: {  	_ = 	snop  }
0x6: {  	_ = 	snop  }
0x7: {  	_ = 	snop  }
__scs_overlays_trampoline_lowered:
0x8: {  	[smem:$0x3FAB] =	sst s0  }
0x9: {  	[smem:$0x3FAC] =	sst s1  }
0xa: {  	[smem:$0x3FAD] =	sst s2  }
0xb: {  	[smem:$0x3FAE] =	sst s3  }
0xc: {  	[smem:$0x3FAF] =	sst s4  }
0xd: {  	[smem:$0x3FB0] =	sst s5  }
0xe: {  	[smem:$0x3FB1] =	sst s6  }
0xf: {  	[smem:$0x3FB2] =	sst s7  }
0x10: {  	[smem:$0x3FB3] =	sst s8  }
0x11: {  	[smem:$0x3FB4] =	sst s9;
	s0 =	simm.s32 @!p0 $0x0  }
0x12: {  	s1 =	sld [smem:$0x3F9A];
	s0 =	simm.s32 @p0 $0x1  }
0x13: {  	[smem:$0x3FB5] =	sst s0;
	s0 =	simm.s32 @!p1 $0x0  }
0x14: {  	s2 =	sld [smem:$0x3F99];
	s0 =	simm.s32 @p1 $0x1  }
0x15: {  	[smem:$0x3FB6] =	sst s0;
	s0 =	simm.s32 @!p2 $0x0  }
0x16: {  	s3 =	sld [smem:$0x3FDB];
	s0 =	simm.s32 @p2 $0x1  }
0x17: {  	s4 =	simm.s32 $0x1BF5;
	[smem:$0x3FB8] =	sst s0  }
0x18: {  	s0 =	sld [smem:$0x3F9B];
	_ =	swait.ge [sflag:s4], $0x0  }
0x19: {  	s7 =	sld [smem:$0x3F9C]  }
0x1a: {  	s8 =	sadd.s32 $0xFFFFE003, lr  }
0x1b: {  	s9 =	sadd.s32 $0xFFFFFEF7, lr;
	s5 =	simm.s32 $0xFFFFFFFF;
	p2 =	slt.u32 s8, $0xFFFFF086  }
0x1c: {  	p1 =	slt.u32 s9, $0xF7A;
	s5 =	simm.s32 @!p2 $0x0  }
0x1d: {  	s5 =	simm.s32 @p1 $0x1;
	p0 =	seq.s32 s7, s2  }
0x1e: {  	s7 =	smul.u32 @!p0 $0xF7A, s2;
	p2 =	seq.s32 @!p0 s5, $0x0  }
0x1f: {  	s9 =	smul.u32 $0xF7A, s1;
	s8 =	simm.s32 @!p0 $0x1BF5;
	p2 =	por !p2, p0  }
0x20: {  	[sflag:s8] =	ssyncset.s32 @!p0 $0xFFFFF086;
	s6 =	sadd.s32 @!p0 s3, s7;
	s7 =	simm.s32 @!p0 $0x108  }
0x21: {  	s3 =	sadd.s32 s3, s9;
	s6 =	sadd.s32 @!p0 $0x88, s6;
	s7 =	simm.s32 @p2 $0x1082  }
0x22: {  	[simem:s7], [sflag:s8] =	dma.local @!p0 [hbm:s6], $0xF7A  }
0x23: {  	s9 =	sor.u32 $0xD0000000, s2;
	s6 =	simm.s32 $0x108;
	_ =	swait.ge @!p0 [sflag:s8], $0x0  }
0x24: {  	s3 =	sadd.s32 $0x88, s3;
	s6 =	simm.s32 @!p1 $0x1082;
	[sflag:s4] =	ssyncset.s32 $0xFFFFF086  }
0x25: {  	[simem:s6], [sflag:s4] =	dma.local [hbm:s3], $0xF7A  }
0x26: {  	[smem:$0x3F9C] =	sst s1;
	(tag) =	ssettag s2;
	_ =	strace s9  }
0x27: {  	s1 =	sld [smem:$0x3FAC]  }
0x28: {  	s2 =	sld [smem:$0x3FAD]  }
0x29: {  	s4 =	sld [smem:$0x3FAF]  }
0x2a: {  	p0 =	seq.s32 s5, $0x0;
	s5 =	sld [smem:$0x3FB0]  }
0x2b: {  	s6 =	sld [smem:$0x3FB1]  }
0x2c: {  	s7 =	sld [smem:$0x3FB2]  }
0x2d: {  	s3 =	simm.s32 $0x108;
	s8 =	sld [smem:$0x3FB3]  }
0x2e: {  	s3 =	simm.s32 @!p0 $0x1082;
	s9 =	sld [smem:$0x3FB4]  }
0x2f: {  	lr =	sadd.s32 s0, s3;
	s0 =	sld [smem:$0x3FAB]  }
0x30: {  	s3 =	sld [smem:$0x3FAE]  }
0x31: {  	[smem:$0x3FB7] =	sst s10  }
0x32: {  	s10 =	sld [smem:$0x3FB5];
	_ =	sdelay $0x3  }
0x33: {  	p0 =	seq.s32 s10, $0x1;
	s10 =	sld [smem:$0x3FB7];
	_ =	sdelay $0x3  }
0x34: {  	[smem:$0x3FB7] =	sst s10  }
0x35: {  	s10 =	sld [smem:$0x3FB6];
	_ =	sdelay $0x3  }
0x36: {  	p1 =	seq.s32 s10, $0x1;
	s10 =	sld [smem:$0x3FB7];
	_ =	sdelay $0x3  }
0x37: {  	[smem:$0x3FB7] =	sst s10  }
0x38: {  	s10 =	sld [smem:$0x3FB8]  }
0x39: {  	_ = 	snop;
	(pc) =	sbr.ind lr, $3  }
0x3a: {  	_ = 	snop  }
0x3b: {  	_ = 	snop  }
0x3c: {  	p2 =	seq.s32 s10, $0x1;
	s10 =	sld [smem:$0x3FB7]  }
0x3d: {  	_ =	shalt  }
0x3e: {  	_ =	shalt  }
0x3f: {  	_ =	shalt  }
0x40: {  	_ =	shalt  }
0x41: {  	_ =	shalt  }
0x42: {  	_ =	shalt  }
0x43: {  	_ =	shalt  }
0x44: {  	_ =	shalt  }
0x45: {  	_ =	shalt  }
0x46: {  	_ =	shalt  }
0x47: {  	_ =	shalt  }
0x48: {  	_ =	shalt  }
0x49: {  	_ =	shalt  }
0x4a: {  	_ =	shalt  }
0x4b: {  	_ =	shalt  }
0x4c: {  	_ =	shalt  }
0x4d: {  	_ =	shalt  }
0x4e: {  	_ =	shalt  }
0x4f: {  	_ =	shalt  }
0x50: {  	_ =	shalt  }
0x51: {  	_ =	shalt  }
0x52: {  	_ =	shalt  }
0x53: {  	_ =	shalt  }
0x54: {  	_ =	shalt  }
0x55: {  	_ =	shalt  }
0x56: {  	_ =	shalt  }
0x57: {  	_ =	shalt  }
0x58: {  	_ =	shalt  }
0x59: {  	_ =	shalt  }
0x5a: {  	_ =	shalt  }
0x5b: {  	_ =	shalt  }
0x5c: {  	_ =	shalt  }
0x5d: {  	_ =	shalt  }
0x5e: {  	_ =	shalt  }
0x5f: {  	_ =	shalt  }
0x60: {  	_ =	shalt  }
0x61: {  	_ =	shalt  }
0x62: {  	_ =	shalt  }
0x63: {  	_ =	shalt  }
0x64: {  	_ =	shalt  }
0x65: {  	_ =	shalt  }
0x66: {  	_ =	shalt  }
0x67: {  	_ =	shalt  }
0x68: {  	_ =	shalt  }
0x69: {  	_ =	shalt  }
0x6a: {  	_ =	shalt  }
0x6b: {  	_ =	shalt  }
0x6c: {  	_ =	shalt  }
0x6d: {  	_ =	shalt  }
0x6e: {  	_ =	shalt  }
0x6f: {  	_ =	shalt  }
0x70: {  	_ =	shalt  }
0x71: {  	_ =	shalt  }
0x72: {  	_ =	shalt  }
0x73: {  	_ =	shalt  }
0x74: {  	_ =	shalt  }
0x75: {  	_ =	shalt  }
0x76: {  	_ =	shalt  }
0x77: {  	_ =	shalt  }
0x78: {  	_ =	shalt  }
0x79: {  	_ =	shalt  }
0x7a: {  	_ =	shalt  }
0x7b: {  	_ =	shalt  }
0x7c: {  	_ =	shalt  }
0x7d: {  	_ =	shalt  }
0x7e: {  	_ =	shalt  }
0x7f: {  	_ =	shalt  }
0x80: {  	_ =	shalt  }
0x81: {  	_ =	shalt  }
0x82: {  	_ =	shalt  }
0x83: {  	_ =	shalt  }
0x84: {  	_ =	shalt  }
0x85: {  	_ =	shalt  }
0x86: {  	_ =	shalt  }
0x87: {  	_ =	shalt  }
.Lfunc_end0:
.L_simem_size_0:
called_computation_lowered:
.L_overlay_start_0:
0x88: {  	s2 =	sld [smem:$0x3FD9]  }
0x89: {  	s3 =	sld [smem:$0x3FFE];
	_ =	sdelay $0x1  }
0x8a: {  	s1 =	srdreg.scid  }
0x8b: {  	s0 =	sand.u32 $0x1, s1  }
0x8c: {  	s16 =	sshll.u32 s0, $0xA;
	s2 =	sadd.s32 s3, s2  }
0x8d: {  	s2 =	sadd.s32 s2, s16  }
0x8e: {  	[smem:$0x3FC3] =	sst s2  }
0x8f: {  	_ = 	snop  }
0x90: {  	(tm) =	ssettm $0x1  }
0x91: {  	s17 =	sld [smem:$0x3FFB];
	_ =	sdelay $0x3  }
0x92: {  	_ =	strace s17  }
0x93: {  	s2 =	sld [smem:$0x3FFC];
	_ =	sdelay $0x3  }
0x94: {  	_ =	strace s2  }
0x95: {  	s2 =	sld [smem:$0x3FFD];
	_ =	sdelay $0x3  }
0x96: {  	_ =	strace s2  }
0x97: {  	_ =	strace $0x8FFFFFFF  }
0x98: {  	s18 =	sld [smem:$0x3FDB];
	_ =	sdelay $0x1  }
0x99: {  	s19 =	simm.s32 $_scs_section_size  }
0x9a: {  	s4 =	simm.s32 $_size__tile_overlayer_lowered;
	s5 =	simm.s32 $_tile_overlayer_lowered  }
0x9b: {  	s22 =	simm.s32 $0x1BFF;
	s21 =	sshll.u32 s5, $0x1;
	s2 =	sadd.s32 s19, s18  }
0x9c: {  	s6 =	simm.s32 $0x0;
	s20 =	sshll.u32 s4, $0x1;
	s4 =	sadd.s32 s21, s2  }
0x9d: {  	[timem:s6], [sflag:s22] =	dma.local [hbm:s4], s20  }
0x9e: {  	_ =	swait.ge [sflag:s22], s20  }
0x9f: {  	s3 =	ssub.s32 $0x0, s20;
	[sflag:s22] =	ssyncset.done $0x0  }
0xa0: {  	[sflag:s22] =	ssyncadd.s32 s3;
	_ =	sdelay $0x1  }
0xa1: {  	s23 =	simm.s32 $0x1B8B  }
0xa2: {  	_ =	swait.ge [sflag:s23], $0x1  }
0xa3: {  	[sflag:s23] =	ssyncset.done $0x0  }
0xa4: {  	s25 =	simm.s32 $0x1B8E;
	s24 =	sld [smem:$0x3FFE];
	[sflag:s23] =	ssyncadd.s32 $0xFFFFFFFF  }
0xa5: {  	s26 =	simm.s32 $execute0_lowered;
	[smem:$0x3FD2] =	sst s25  }
0xa6: {  	s4 =	sshll.u32 s26, $0x1;
	_ =	strace $0x80000046;
	[dreg:$0x1] =	wrdreg $0xFFFFFFFF  }
0xa7: {  	s28 =	simm.s32 $_size_execute0_lowered;
	s2 =	sadd.s32 s2, s4;
	[dreg:$0x0] =	wrdreg $0x0  }
0xa8: {  	s4 =	sshll.u32 s28, $0x1;
	[dreg:$0x2] =	wrdreg s2  }
0xa9: {  	[dreg:$0x3] =	wrdreg s4  }
0xaa: {  	[dreg:$0x4] =	wrdreg $0xC0  }
0xab: {  	_ =	task [dreg:s6], $0x5FFFF  }
0xac: {  	[dreg:$0x1] =	wrdreg $0xFFFFFFFF  }
0xad: {  	[dreg:$0x0] =	wrdreg $0x60  }
0xae: {  	[dreg:$0x2] =	wrdreg s24  }
0xaf: {  	[dreg:$0x3] =	wrdreg $0x6A800  }
0xb0: {  	[dreg:$0x4] =	wrdreg $0x9  }
0xb1: {  	_ =	task.clear_ibuf [dreg:s6], $0x5FFFF;
	_ =	strace $0x90000046  }
0xb2: {  	s29 =	simm.s32 $0x9;
	_ =	strace $0x80000048  }
0xb3: {  	_ =	swait.ge [sflag:s29], $0x1  }
0xb4: {  	[sflag:s29] =	ssyncadd.s32 $0xFFFFFFFF  }
0xb5: {  	_ =	strace $0x90000048  }
0xb6: {  	_ =	sfence  }
0xb7: {  	s30 =	sld [smem:$0x0];
	_ =	sdelay $0x2  }
0xb8: {  	s31 =	sshll.u32 s1, $0xD;
	s1 =	sshrl.u32 s1, $0x2  }
0xb9: {  	s3 =	sand.u32 $0x4000, s31;
	s1 =	sadd.s32 s1, s30  }
0xba: {  	s0 =	sor.u32 s3, s0;
	s1 =	sshll.u32 s1, $0x11  }
0xbb: {  	s0 =	sor.u32 s1, s0  }
0xbc: {  	s0 =	sadd.s32 $0x8F2B, s0  }
0xbd: {  	[sflag:s0] =	ssyncadd.remote.s32 $0x1  }
0xbe: {  	_ =	sfence.sel $0xFFFF  }
0xbf: {  	[dreg:$0x0] =	wrdreg $0xFFFFFFFF;
	(pc) =	sbr.abs _section_cstart, $3  }
0xc0: {  	[dreg:$0x1] =	wrdreg $0xFFFFFFFF  }
0xc1: {  	_ =	task.clear_ibuf [dreg:s6], $0x2FFFF;
	_ =	strace $0x9FFFFFFF  }
0xc2: {  	(tm) =	ssettm $0x7FFFFFFF  }
0xc3: {  	_ =	shalt  }
tec
execute0_lowered:
.L_overlay_start_1:
0x0: {  	(tag) =	ssettag $0x1  }
0x1: {  	s4 =	rddreg [dreg:$0x0]  }
0x2: {  	s2 =	rddreg [dreg:$0x1]  }
0x3: {  	s3 =	srdreg.scid;
	s0 =	rddreg [dreg:$0x2]  }
0x4: {  	s1 =	stileid.u32;
	s12 =	simm.s32 $0x1;
	s13 =	simm.s32 $0x80  }
0x5: {  	s16 =	simm.s32 $0x10;
	s17 =	simm.s32 $0x0;
	s5 =	sand.u32 $0x1, s3  }
0x6: {  	s6 =	sshll.u32 s1, $0x1;
	s8 =	sshrl.u32 s1, $0x3;
	s28 =	smul.u32 $0xA00, s1  }
0x7: {  	s3 =	simm.s32 $0x0;
	s10 =	sshll.u32 s1, $0x7;
	s7 =	smul.u32 $0x2800, s5  }
0x8: {  	s14 =	sshll.u32 s1, $0x6;
	s9 =	sor.u32 s5, s6;
	s24 =	smul.u32 $0x1400, s8  }
0x9: {  	[smem:$0x7FF] =	sst s3;
	s26 =	sand.u32 $0x380, s10;
	s5 =	ssub.s32 $0x2, s5  }
0xa: {  	s10 =	simm.s32 $0x6800;
	s14 =	sadd.s32 $0x1C02, s14;
	s25 =	sadd.s32 $0xFFFFFFE7, s9  }
0xb: {  	_ =	strace $0x80000047;
	s30 =	sshrl.u32 s5, $0x1;
	s8 =	smin.u32 s9, s25  }
0xc: {  	s31 =	sshra.s32 s28, $0x2;
	s6 =	sadd.s32 s7, s24;
	s8 =	smul.u32 $0x680, s8  }
.Ltmp0:
0xd: {  	p0 =	sgt.u32 s9, $0x18;
	s6 =	sor.u32 s26, s6;
	(pc) =	sbr.rel .LBB2_1-.Ltmp0, $4  }
0xe: {  	s11 =	ssub.s32 s5, s30;
	s9 =	simm.s32 $0x3400;
	s6 =	sshrl.u32 s6, $0x3  }
0xf: {  	s8 =	sadd.s32 s8, s4;
	s29 =	sadd.s32 s6, s4;
	s6 =	sadd.s32 s31, s2  }
0x10: {  	s4 =	sadd.s32 $0xA00, s8;
	s5 =	sadd.s32 $0x15000, s8;
	s7 =	sadd.s32 $0x1F400, s29  }
0x11: {  	v0 =	vimm.f32 $0.0e+00;
	s8 =	smax.u32 s11, $0x1;
	s11 =	simm.s32 $0x2;
	s15 =	sshrl.u32 s6, $0x3  }
.LBB2_4:
0x12: {  	s18 =	sadd.s32 $0x3400, s20;
	[sflag:s12] =	ssyncadd.s32 $0xFFFFFF80  }
0x13: {  	[spmem:s2] =	stream.indirect.scatter.add.f32 [tilespmem:s18], [sflag:$0x1], $0x1, s20, s13, $0xb8;
	[tilespmem:$0x6D00] =	vst v63  }
0x14: {  	s24 =	sadd.s32 $0x3480, s20;
	s19 =	sadd.s32 $0x80, s20  }
0x15: {  	[spmem:s2] =	stream.indirect.scatter.add.f32 [tilespmem:s24], [sflag:$0x1], $0x1, s19, s13, $0xb8;
	[tilespmem:$0x6D00] =	vst v63  }
0x16: {  	s25 =	sadd.s32 $0x3500, s20;
	s26 =	sadd.s32 $0x100, s20  }
0x17: {  	[spmem:s2] =	stream.indirect.scatter.add.f32 [tilespmem:s25], [sflag:$0x1], $0x1, s26, s13, $0xb8;
	[tilespmem:$0x6D00] =	vst v63  }
0x18: {  	s28 =	sadd.s32 $0x3580, s20;
	s29 =	sadd.s32 $0x180, s20  }
0x19: {  	[spmem:s2] =	stream.indirect.scatter.add.f32 [tilespmem:s28], [sflag:$0x1], $0x1, s29, s13, $0xb8;
	[tilespmem:$0x6D00] =	vst v63  }
0x1a: {  	s30 =	sadd.s32 $0x3600, s20;
	s31 =	sadd.s32 $0x200, s20  }
0x1b: {  	[spmem:s2] =	stream.indirect.scatter.add.f32 [tilespmem:s30], [sflag:$0x1], $0x1, s31, s13, $0xb8;
	[tilespmem:$0x6D00] =	vst v63  }
0x1c: {  	s21 =	sadd.s32 $0x3680, s20;
	s22 =	sadd.s32 $0x280, s20  }
0x1d: {  	[spmem:s2] =	stream.indirect.scatter.add.f32 [tilespmem:s21], [sflag:$0x1], $0x1, s22, s13, $0xb8;
	[tilespmem:$0x6D00] =	vst v63  }
0x1e: {  	s23 =	sadd.s32 $0x3700, s20;
	s24 =	sadd.s32 $0x300, s20  }
0x1f: {  	[spmem:s2] =	stream.indirect.scatter.add.f32 [tilespmem:s23], [sflag:$0x1], $0x1, s24, s13, $0xb8;
	[tilespmem:$0x6D00] =	vst v63  }
0x20: {  	s25 =	sadd.s32 $0x3780, s20;
	s26 =	sadd.s32 $0x380, s20  }
0x21: {  	[spmem:s2] =	stream.indirect.scatter.add.f32 [tilespmem:s25], [sflag:$0x1], $0x1, s26, s13, $0xb8;
	[tilespmem:$0x6D00] =	vst v63  }
0x22: {  	s28 =	sadd.s32 $0x3800, s20;
	s29 =	sadd.s32 $0x400, s20  }
0x23: {  	[spmem:s2] =	stream.indirect.scatter.add.f32 [tilespmem:s28], [sflag:$0x1], $0x1, s29, s13, $0xb8;
	[tilespmem:$0x6D00] =	vst v63  }
0x24: {  	s30 =	sadd.s32 $0x3880, s20;
	s31 =	sadd.s32 $0x480, s20  }
0x25: {  	[spmem:s2] =	stream.indirect.scatter.add.f32 [tilespmem:s30], [sflag:$0x1], $0x1, s31, s13, $0xb8;
	[tilespmem:$0x6D00] =	vst v63  }
0x26: {  	s21 =	sadd.s32 $0x3900, s20;
	s22 =	sadd.s32 $0x500, s20  }
0x27: {  	[spmem:s2] =	stream.indirect.scatter.add.f32 [tilespmem:s21], [sflag:$0x1], $0x1, s22, s13, $0xb8;
	[tilespmem:$0x6D00] =	vst v63  }
0x28: {  	s23 =	sadd.s32 $0x3980, s20;
	s24 =	sadd.s32 $0x580, s20  }
0x29: {  	[spmem:s2] =	stream.indirect.scatter.add.f32 [tilespmem:s23], [sflag:$0x1], $0x1, s24, s13, $0xb8;
	[tilespmem:$0x6D00] =	vst v63  }
0x2a: {  	s25 =	sadd.s32 $0x3A00, s20;
	s26 =	sadd.s32 $0x600, s20  }
0x2b: {  	[spmem:s2] =	stream.indirect.scatter.add.f32 [tilespmem:s25], [sflag:$0x1], $0x1, s26, s13, $0xb8;
	[tilespmem:$0x6D00] =	vst v63  }
0x2c: {  	s28 =	sadd.s32 $0x3A80, s20;
	s29 =	sadd.s32 $0x680, s20  }
0x2d: {  	[spmem:s2] =	stream.indirect.scatter.add.f32 [tilespmem:s28], [sflag:$0x1], $0x1, s29, s13, $0xb8;
	[tilespmem:$0x6D00] =	vst v63  }
0x2e: {  	s30 =	sadd.s32 $0x3B00, s20;
	s31 =	sadd.s32 $0x700, s20  }
0x2f: {  	[spmem:s2] =	stream.indirect.scatter.add.f32 [tilespmem:s30], [sflag:$0x1], $0x1, s31, s13, $0xb8;
	[tilespmem:$0x6D00] =	vst v63  }
0x30: {  	s21 =	sadd.s32 $0x3B80, s20;
	s22 =	sadd.s32 $0x780, s20  }
0x31: {  	[spmem:s2] =	stream.indirect.scatter.add.f32 [tilespmem:s21], [sflag:$0x1], $0x1, s22, s13, $0xb8;
	[tilespmem:$0x6D00] =	vst v63  }
0x32: {  	s23 =	sadd.s32 $0x3C00, s20;
	s24 =	sadd.s32 $0x800, s20  }
0x33: {  	[spmem:s2] =	stream.indirect.scatter.add.f32 [tilespmem:s23], [sflag:$0x1], $0x1, s24, s13, $0xb8;
	[tilespmem:$0x6D00] =	vst v63  }
0x34: {  	s25 =	sadd.s32 $0x3C80, s20;
	s26 =	sadd.s32 $0x880, s20  }
0x35: {  	[spmem:s2] =	stream.indirect.scatter.add.f32 [tilespmem:s25], [sflag:$0x1], $0x1, s26, s13, $0xb8;
	[tilespmem:$0x6D00] =	vst v63  }
0x36: {  	s28 =	sadd.s32 $0x3D00, s20;
	s29 =	sadd.s32 $0x900, s20  }
0x37: {  	[spmem:s2] =	stream.indirect.scatter.add.f32 [tilespmem:s28], [sflag:$0x1], $0x1, s29, s13, $0xb8;
	[tilespmem:$0x6D00] =	vst v63  }
0x38: {  	s30 =	sadd.s32 $0x3D80, s20;
	s31 =	sadd.s32 $0x980, s20  }
0x39: {  	[spmem:s2] =	stream.indirect.scatter.add.f32 [tilespmem:s30], [sflag:$0x1], $0x1, s31, s13, $0xb8;
	[tilespmem:$0x6D00] =	vst v63  }
0x3a: {  	_ =	swait.ge [sflag:s12], $0x80  }
0x3b: {  	[sflag:s12] =	ssyncset.done $0x0  }
0x3c: {  	[sflag:s12] =	ssyncadd.s32 $0xFFFFFF80  }
0x3d: {  	_ =	swait.ge [sflag:s12], $0x80  }
0x3e: {  	[sflag:s12] =	ssyncset.done $0x0  }
0x3f: {  	[sflag:s12] =	ssyncadd.s32 $0xFFFFFF80  }
0x40: {  	_ =	swait.ge [sflag:s12], $0x80  }
0x41: {  	[sflag:s12] =	ssyncset.done $0x0  }
0x42: {  	[sflag:s12] =	ssyncadd.s32 $0xFFFFFF80  }
0x43: {  	_ =	swait.ge [sflag:s12], $0x80  }
0x44: {  	[sflag:s12] =	ssyncset.done $0x0  }
0x45: {  	[sflag:s12] =	ssyncadd.s32 $0xFFFFFF80  }
0x46: {  	_ =	swait.ge [sflag:s12], $0x80  }
0x47: {  	[sflag:s12] =	ssyncset.done $0x0  }
0x48: {  	[sflag:s12] =	ssyncadd.s32 $0xFFFFFF80  }
0x49: {  	_ =	swait.ge [sflag:s12], $0x80  }
0x4a: {  	[sflag:s12] =	ssyncset.done $0x0  }
0x4b: {  	[sflag:s12] =	ssyncadd.s32 $0xFFFFFF80  }
0x4c: {  	_ =	swait.ge [sflag:s12], $0x80  }
0x4d: {  	[sflag:s12] =	ssyncset.done $0x0  }
0x4e: {  	[sflag:s12] =	ssyncadd.s32 $0xFFFFFF80  }
0x4f: {  	_ =	swait.ge [sflag:s12], $0x80  }
0x50: {  	[sflag:s12] =	ssyncset.done $0x0  }
0x51: {  	[sflag:s12] =	ssyncadd.s32 $0xFFFFFF80  }
0x52: {  	_ =	swait.ge [sflag:s12], $0x80  }
0x53: {  	[sflag:s12] =	ssyncset.done $0x0  }
0x54: {  	[sflag:s12] =	ssyncadd.s32 $0xFFFFFF80  }
0x55: {  	_ =	swait.ge [sflag:s12], $0x80  }
0x56: {  	[sflag:s12] =	ssyncset.done $0x0  }
0x57: {  	[sflag:s12] =	ssyncadd.s32 $0xFFFFFF80  }
0x58: {  	_ =	swait.ge [sflag:s12], $0x80  }
0x59: {  	[sflag:s12] =	ssyncset.done $0x0  }
0x5a: {  	[sflag:s12] =	ssyncadd.s32 $0xFFFFFF80  }
0x5b: {  	_ =	swait.ge [sflag:s12], $0x80  }
0x5c: {  	[sflag:s12] =	ssyncset.done $0x0  }
0x5d: {  	[sflag:s12] =	ssyncadd.s32 $0xFFFFFF80  }
0x5e: {  	_ =	swait.ge [sflag:s12], $0x80  }
0x5f: {  	[sflag:s12] =	ssyncset.done $0x0  }
0x60: {  	[sflag:s12] =	ssyncadd.s32 $0xFFFFFF80  }
0x61: {  	_ =	swait.ge [sflag:s12], $0x80  }
0x62: {  	[sflag:s12] =	ssyncset.done $0x0  }
0x63: {  	[sflag:s12] =	ssyncadd.s32 $0xFFFFFF80  }
0x64: {  	_ =	swait.ge [sflag:s12], $0x80  }
0x65: {  	[sflag:s12] =	ssyncset.done $0x0  }
0x66: {  	[sflag:s12] =	ssyncadd.s32 $0xFFFFFF80  }
0x67: {  	_ =	swait.ge [sflag:s12], $0x80  }
0x68: {  	[sflag:s12] =	ssyncset.done $0x0  }
0x69: {  	[sflag:s12] =	ssyncadd.s32 $0xFFFFFF80  }
0x6a: {  	_ =	swait.ge [sflag:s12], $0x80  }
0x6b: {  	[sflag:s12] =	ssyncset.done $0x0  }
0x6c: {  	[sflag:s12] =	ssyncadd.s32 $0xFFFFFF80  }
0x6d: {  	_ =	swait.ge [sflag:s12], $0x80  }
0x6e: {  	[sflag:s12] =	ssyncset.done $0x0  }
0x6f: {  	[sflag:s12] =	ssyncadd.s32 $0xFFFFFF80  }
0x70: {  	_ =	swait.ge [sflag:s12], $0x80  }
0x71: {  	[sflag:s12] =	ssyncset.done $0x0  }
0x72: {  	[sflag:s12] =	ssyncadd.s32 $0xFFFFFF80  }
0x73: {  	_ =	swait.ge [sflag:s12], $0x80  }
0x74: {  	[sflag:s12] =	ssyncset.done $0x0  }
0x75: {  	[sflag:s12] =	ssyncadd.s32 $0xFFFFFF80  }
.LBB2_5:
0x76: {  	s17 =	sadd.s32 $0x1, s17  }
0x77: {  	p1 =	sne.s32 s17, s8  }
.Ltmp1:
0x78: {  	[bflag:$0x0] =	sbarrier.arrive $0xFFFF;
	(pc) =	sbr.rel @!p1 .LBB2_6-.Ltmp1, $4  }
0x79: {  	[hbm:s7@s13], [sflag:s14] =	dma.strided [spmem:s15@s16], $0x50, s12, $0x10   }
0x7a: {  	_ =	swait.ge [sflag:s11], $0x50  }
0x7b: {  	[sflag:s11] =	ssyncset.done $0x0  }
0x7c: {  	[sflag:s11] =	ssyncadd.s32 $0xFFFFFFB0  }
.LBB2_1:
0x7d: {  	[tilespmem:s3], [sflag:$0x1] =	stream.linear.gather [hbm4b:s4+s3], $0x3200, $0x38;
	[tilespmem:$0x6D00] =	vst v63  }
0x7e: {  	_ = 	snop  }
0x7f: {  	[tilespmem:s9], [sflag:$0x1] =	stream.linear.gather [hbm4b:s5+s3], $0x3200, $0x38;
	[tilespmem:$0x6D00] =	vst v63  }
0x80: {  	[tilespmem:$0x6800] =	vst v0  }
0x81: {  	[tilespmem:$0x6810] =	vst v0  }
0x82: {  	[tilespmem:$0x6820] =	vst v0  }
0x83: {  	[tilespmem:$0x6830] =	vst v0  }
0x84: {  	[tilespmem:$0x6840] =	vst v0  }
0x85: {  	[tilespmem:$0x6850] =	vst v0  }
0x86: {  	[tilespmem:$0x6860] =	vst v0  }
0x87: {  	[tilespmem:$0x6870] =	vst v0  }
0x88: {  	[tilespmem:$0x6880] =	vst v0  }
0x89: {  	[tilespmem:$0x6890] =	vst v0  }
0x8a: {  	[tilespmem:$0x68A0] =	vst v0  }
0x8b: {  	[tilespmem:$0x68B0] =	vst v0  }
0x8c: {  	[tilespmem:$0x68C0] =	vst v0  }
0x8d: {  	[tilespmem:$0x68D0] =	vst v0  }
0x8e: {  	[tilespmem:$0x68E0] =	vst v0  }
0x8f: {  	[tilespmem:$0x68F0] =	vst v0  }
0x90: {  	[tilespmem:$0x6900] =	vst v0  }
0x91: {  	[tilespmem:$0x6910] =	vst v0  }
0x92: {  	[tilespmem:$0x6920] =	vst v0  }
0x93: {  	[tilespmem:$0x6930] =	vst v0  }
0x94: {  	[tilespmem:$0x6940] =	vst v0  }
0x95: {  	[tilespmem:$0x6950] =	vst v0  }
0x96: {  	[tilespmem:$0x6960] =	vst v0  }
0x97: {  	[tilespmem:$0x6970] =	vst v0  }
0x98: {  	[tilespmem:$0x6980] =	vst v0  }
0x99: {  	[tilespmem:$0x6990] =	vst v0  }
0x9a: {  	[tilespmem:$0x69A0] =	vst v0  }
0x9b: {  	[tilespmem:$0x69B0] =	vst v0  }
0x9c: {  	[tilespmem:$0x69C0] =	vst v0  }
0x9d: {  	[tilespmem:$0x69D0] =	vst v0  }
0x9e: {  	[tilespmem:$0x69E0] =	vst v0  }
0x9f: {  	[tilespmem:$0x69F0] =	vst v0  }
0xa0: {  	[tilespmem:$0x6A00] =	vst v0  }
0xa1: {  	[tilespmem:$0x6A10] =	vst v0  }
0xa2: {  	[tilespmem:$0x6A20] =	vst v0  }
0xa3: {  	[tilespmem:$0x6A30] =	vst v0  }
0xa4: {  	[tilespmem:$0x6A40] =	vst v0  }
0xa5: {  	[tilespmem:$0x6A50] =	vst v0  }
0xa6: {  	[tilespmem:$0x6A60] =	vst v0  }
0xa7: {  	[tilespmem:$0x6A70] =	vst v0  }
0xa8: {  	[spmem:s6] =	stream.linear.scatter [tilespmem:s10], [sflag:$0x2], $0x280, $0x38;
	[tilespmem:$0x6D00] =	vst v63  }
0xa9: {  	_ =	swait.ge [sflag:s11], $0x280  }
0xaa: {  	[sflag:s11] =	ssyncset.done $0x0  }
0xab: {  	[sflag:s11] =	ssyncadd.s32 $0xFFFFFD80  }
0xac: {  	_ =	swait.ge [sflag:s12], $0x3200  }
0xad: {  	[sflag:s12] =	ssyncset.done $0x0  }
0xae: {  	[sflag:s12] =	ssyncadd.s32 $0xFFFFCE00  }
.Ltmp2:
0xaf: {  	_ =	swait.ge [sflag:s12], $0x3200;
	(pc) =	sbr.rel @p0 .LBB2_5-.Ltmp2, $3  }
0xb0: {  	[sflag:s12] =	ssyncset.done $0x0  }
0xb1: {  	[sflag:s12] =	ssyncadd.s32 $0xFFFFCE00  }
0xb2: {  	[bflag:$0x0] =	sbarrier.arrive $0xFFFF;
	_ =	sdelay $0x1  }
0xb3: {  	s18 =	simm.s32 $0x0;
	s19 =	simm.s32 $0x3400  }
0xb4: {  	[spmem:s2] =	stream.indirect.scatter.add.f32 [tilespmem:s19], [sflag:$0x1], $0x1, s18, s13, $0xb8;
	[tilespmem:$0x6D00] =	vst v63  }
0xb5: {  	s30 =	simm.s32 $0x3480;
	s31 =	simm.s32 $0x80  }
0xb6: {  	[spmem:s2] =	stream.indirect.scatter.add.f32 [tilespmem:s30], [sflag:$0x1], $0x1, s31, s13, $0xb8;
	[tilespmem:$0x6D00] =	vst v63  }
0xb7: {  	s20 =	simm.s32 $0x100;
	s19 =	simm.s32 $0x3500  }
0xb8: {  	[spmem:s2] =	stream.indirect.scatter.add.f32 [tilespmem:s19], [sflag:$0x1], $0x1, s20, s13, $0xb8;
	[tilespmem:$0x6D00] =	vst v63  }
0xb9: {  	s21 =	simm.s32 $0x3580;
	s22 =	simm.s32 $0x180  }
0xba: {  	[spmem:s2] =	stream.indirect.scatter.add.f32 [tilespmem:s21], [sflag:$0x1], $0x1, s22, s13, $0xb8;
	[tilespmem:$0x6D00] =	vst v63  }
0xbb: {  	s23 =	simm.s32 $0x3600;
	s24 =	simm.s32 $0x200  }
0xbc: {  	[spmem:s2] =	stream.indirect.scatter.add.f32 [tilespmem:s23], [sflag:$0x1], $0x1, s24, s13, $0xb8;
	[tilespmem:$0x6D00] =	vst v63  }
0xbd: {  	s25 =	simm.s32 $0x3680;
	s26 =	simm.s32 $0x280  }
0xbe: {  	[spmem:s2] =	stream.indirect.scatter.add.f32 [tilespmem:s25], [sflag:$0x1], $0x1, s26, s13, $0xb8;
	[tilespmem:$0x6D00] =	vst v63  }
0xbf: {  	s28 =	simm.s32 $0x3700;
	s29 =	simm.s32 $0x300  }
0xc0: {  	[spmem:s2] =	stream.indirect.scatter.add.f32 [tilespmem:s28], [sflag:$0x1], $0x1, s29, s13, $0xb8;
	[tilespmem:$0x6D00] =	vst v63  }
0xc1: {  	s30 =	simm.s32 $0x3780;
	s31 =	simm.s32 $0x380  }
0xc2: {  	[spmem:s2] =	stream.indirect.scatter.add.f32 [tilespmem:s30], [sflag:$0x1], $0x1, s31, s13, $0xb8;
	[tilespmem:$0x6D00] =	vst v63  }
0xc3: {  	s19 =	simm.s32 $0x3800;
	s20 =	simm.s32 $0x400  }
0xc4: {  	[spmem:s2] =	stream.indirect.scatter.add.f32 [tilespmem:s19], [sflag:$0x1], $0x1, s20, s13, $0xb8;
	[tilespmem:$0x6D00] =	vst v63  }
0xc5: {  	s21 =	simm.s32 $0x3880;
	s22 =	simm.s32 $0x480  }
0xc6: {  	[spmem:s2] =	stream.indirect.scatter.add.f32 [tilespmem:s21], [sflag:$0x1], $0x1, s22, s13, $0xb8;
	[tilespmem:$0x6D00] =	vst v63  }
0xc7: {  	s23 =	simm.s32 $0x3900;
	s24 =	simm.s32 $0x500  }
0xc8: {  	[spmem:s2] =	stream.indirect.scatter.add.f32 [tilespmem:s23], [sflag:$0x1], $0x1, s24, s13, $0xb8;
	[tilespmem:$0x6D00] =	vst v63  }
0xc9: {  	s25 =	simm.s32 $0x3980;
	s26 =	simm.s32 $0x580  }
0xca: {  	[spmem:s2] =	stream.indirect.scatter.add.f32 [tilespmem:s25], [sflag:$0x1], $0x1, s26, s13, $0xb8;
	[tilespmem:$0x6D00] =	vst v63  }
0xcb: {  	s28 =	simm.s32 $0x3A00;
	s29 =	simm.s32 $0x600  }
0xcc: {  	[spmem:s2] =	stream.indirect.scatter.add.f32 [tilespmem:s28], [sflag:$0x1], $0x1, s29, s13, $0xb8;
	[tilespmem:$0x6D00] =	vst v63  }
0xcd: {  	s30 =	simm.s32 $0x3A80;
	s31 =	simm.s32 $0x680  }
0xce: {  	[spmem:s2] =	stream.indirect.scatter.add.f32 [tilespmem:s30], [sflag:$0x1], $0x1, s31, s13, $0xb8;
	[tilespmem:$0x6D00] =	vst v63  }
0xcf: {  	s19 =	simm.s32 $0x3B00;
	s20 =	simm.s32 $0x700  }
0xd0: {  	[spmem:s2] =	stream.indirect.scatter.add.f32 [tilespmem:s19], [sflag:$0x1], $0x1, s20, s13, $0xb8;
	[tilespmem:$0x6D00] =	vst v63  }
0xd1: {  	s21 =	simm.s32 $0x3B80;
	s22 =	simm.s32 $0x780  }
0xd2: {  	[spmem:s2] =	stream.indirect.scatter.add.f32 [tilespmem:s21], [sflag:$0x1], $0x1, s22, s13, $0xb8;
	[tilespmem:$0x6D00] =	vst v63  }
0xd3: {  	s23 =	simm.s32 $0x3C00;
	s24 =	simm.s32 $0x800  }
0xd4: {  	[spmem:s2] =	stream.indirect.scatter.add.f32 [tilespmem:s23], [sflag:$0x1], $0x1, s24, s13, $0xb8;
	[tilespmem:$0x6D00] =	vst v63  }
0xd5: {  	s25 =	simm.s32 $0x3C80;
	s26 =	simm.s32 $0x880  }
0xd6: {  	[spmem:s2] =	stream.indirect.scatter.add.f32 [tilespmem:s25], [sflag:$0x1], $0x1, s26, s13, $0xb8;
	[tilespmem:$0x6D00] =	vst v63  }
0xd7: {  	s28 =	simm.s32 $0x3D00;
	s29 =	simm.s32 $0x900  }
0xd8: {  	[spmem:s2] =	stream.indirect.scatter.add.f32 [tilespmem:s28], [sflag:$0x1], $0x1, s29, s13, $0xb8;
	[tilespmem:$0x6D00] =	vst v63  }
0xd9: {  	s30 =	simm.s32 $0x3D80;
	s31 =	simm.s32 $0x980  }
0xda: {  	[spmem:s2] =	stream.indirect.scatter.add.f32 [tilespmem:s30], [sflag:$0x1], $0x1, s31, s13, $0xb8;
	[tilespmem:$0x6D00] =	vst v63  }
0xdb: {  	_ =	swait.ge [sflag:s12], $0x80  }
0xdc: {  	[sflag:s12] =	ssyncset.done $0x0  }
0xdd: {  	[sflag:s12] =	ssyncadd.s32 $0xFFFFFF80  }
0xde: {  	_ =	swait.ge [sflag:s12], $0x80  }
0xdf: {  	[sflag:s12] =	ssyncset.done $0x0  }
0xe0: {  	[sflag:s12] =	ssyncadd.s32 $0xFFFFFF80  }
0xe1: {  	_ =	swait.ge [sflag:s12], $0x80  }
0xe2: {  	[sflag:s12] =	ssyncset.done $0x0  }
0xe3: {  	[sflag:s12] =	ssyncadd.s32 $0xFFFFFF80  }
0xe4: {  	_ =	swait.ge [sflag:s12], $0x80  }
0xe5: {  	[sflag:s12] =	ssyncset.done $0x0  }
0xe6: {  	[sflag:s12] =	ssyncadd.s32 $0xFFFFFF80  }
0xe7: {  	_ =	swait.ge [sflag:s12], $0x80  }
0xe8: {  	[sflag:s12] =	ssyncset.done $0x0  }
0xe9: {  	[sflag:s12] =	ssyncadd.s32 $0xFFFFFF80  }
0xea: {  	_ =	swait.ge [sflag:s12], $0x80  }
0xeb: {  	[sflag:s12] =	ssyncset.done $0x0  }
0xec: {  	[sflag:s12] =	ssyncadd.s32 $0xFFFFFF80  }
0xed: {  	_ =	swait.ge [sflag:s12], $0x80  }
0xee: {  	[sflag:s12] =	ssyncset.done $0x0  }
0xef: {  	[sflag:s12] =	ssyncadd.s32 $0xFFFFFF80  }
0xf0: {  	_ =	swait.ge [sflag:s12], $0x80  }
0xf1: {  	[sflag:s12] =	ssyncset.done $0x0  }
0xf2: {  	[sflag:s12] =	ssyncadd.s32 $0xFFFFFF80  }
0xf3: {  	_ =	swait.ge [sflag:s12], $0x80  }
0xf4: {  	[sflag:s12] =	ssyncset.done $0x0  }
0xf5: {  	[sflag:s12] =	ssyncadd.s32 $0xFFFFFF80  }
0xf6: {  	_ =	swait.ge [sflag:s12], $0x80  }
0xf7: {  	[sflag:s12] =	ssyncset.done $0x0  }
0xf8: {  	[sflag:s12] =	ssyncadd.s32 $0xFFFFFF80  }
0xf9: {  	_ =	swait.ge [sflag:s12], $0x80  }
0xfa: {  	[sflag:s12] =	ssyncset.done $0x0  }
0xfb: {  	[sflag:s12] =	ssyncadd.s32 $0xFFFFFF80  }
0xfc: {  	_ =	swait.ge [sflag:s12], $0x80  }
0xfd: {  	[sflag:s12] =	ssyncset.done $0x0  }
0xfe: {  	[sflag:s12] =	ssyncadd.s32 $0xFFFFFF80  }
0xff: {  	_ =	swait.ge [sflag:s12], $0x80  }
0x100: {  	[sflag:s12] =	ssyncset.done $0x0  }
0x101: {  	[sflag:s12] =	ssyncadd.s32 $0xFFFFFF80  }
0x102: {  	_ =	swait.ge [sflag:s12], $0x80  }
0x103: {  	[sflag:s12] =	ssyncset.done $0x0  }
0x104: {  	[sflag:s12] =	ssyncadd.s32 $0xFFFFFF80  }
0x105: {  	_ =	swait.ge [sflag:s12], $0x80  }
0x106: {  	[sflag:s12] =	ssyncset.done $0x0  }
0x107: {  	[sflag:s12] =	ssyncadd.s32 $0xFFFFFF80  }
0x108: {  	_ =	swait.ge [sflag:s12], $0x80  }
0x109: {  	[sflag:s12] =	ssyncset.done $0x0  }
0x10a: {  	[sflag:s12] =	ssyncadd.s32 $0xFFFFFF80  }
0x10b: {  	_ =	swait.ge [sflag:s12], $0x80  }
0x10c: {  	[sflag:s12] =	ssyncset.done $0x0  }
0x10d: {  	[sflag:s12] =	ssyncadd.s32 $0xFFFFFF80  }
0x10e: {  	_ =	swait.ge [sflag:s12], $0x80  }
0x10f: {  	[sflag:s12] =	ssyncset.done $0x0  }
0x110: {  	[sflag:s12] =	ssyncadd.s32 $0xFFFFFF80  }
0x111: {  	_ =	swait.ge [sflag:s12], $0x80  }
0x112: {  	[sflag:s12] =	ssyncset.done $0x0  }
0x113: {  	[sflag:s12] =	ssyncadd.s32 $0xFFFFFF80  }
0x114: {  	_ =	swait.ge [sflag:s12], $0x80  }
0x115: {  	s20 =	simm.s32 $0xA00;
	s21 =	simm.s32 $0x5000;
	[sflag:s12] =	ssyncset.done $0x0  }
.LBB2_3:
0x116: {  	s22 =	sadd.s32 $0x3400, s20  }
0x117: {  	[sflag:s12] =	ssyncadd.s32 $0xFFFFFF80;
	s19 =	smov.u32 s21;
	s18 =	sadd.s32 $0x2800, s21  }
0x118: {  	[spmem:s2] =	stream.indirect.scatter.add.f32 [tilespmem:s22], [sflag:$0x1], $0x1, s20, s13, $0xb8;
	[tilespmem:$0x6D00] =	vst v63  }
0x119: {  	p1 =	sne.s32 s21, $0xA000;
	s21 =	sadd.s32 $0x3480, s20;
	s22 =	sadd.s32 $0x80, s20  }
0x11a: {  	[spmem:s2] =	stream.indirect.scatter.add.f32 [tilespmem:s21], [sflag:$0x1], $0x1, s22, s13, $0xb8;
	[tilespmem:$0x6D00] =	vst v63  }
0x11b: {  	s21 =	sadd.s32 $0x3500, s20;
	s22 =	sadd.s32 $0x100, s20  }
0x11c: {  	[spmem:s2] =	stream.indirect.scatter.add.f32 [tilespmem:s21], [sflag:$0x1], $0x1, s22, s13, $0xb8;
	[tilespmem:$0x6D00] =	vst v63  }
0x11d: {  	s21 =	sadd.s32 $0x3580, s20;
	s22 =	sadd.s32 $0x180, s20  }
0x11e: {  	[spmem:s2] =	stream.indirect.scatter.add.f32 [tilespmem:s21], [sflag:$0x1], $0x1, s22, s13, $0xb8;
	[tilespmem:$0x6D00] =	vst v63  }
0x11f: {  	s21 =	sadd.s32 $0x3600, s20;
	s22 =	sadd.s32 $0x200, s20  }
0x120: {  	[spmem:s2] =	stream.indirect.scatter.add.f32 [tilespmem:s21], [sflag:$0x1], $0x1, s22, s13, $0xb8;
	[tilespmem:$0x6D00] =	vst v63  }
0x121: {  	s21 =	sadd.s32 $0x3680, s20;
	s22 =	sadd.s32 $0x280, s20  }
0x122: {  	[spmem:s2] =	stream.indirect.scatter.add.f32 [tilespmem:s21], [sflag:$0x1], $0x1, s22, s13, $0xb8;
	[tilespmem:$0x6D00] =	vst v63  }
0x123: {  	s21 =	sadd.s32 $0x3700, s20;
	s22 =	sadd.s32 $0x300, s20  }
0x124: {  	[spmem:s2] =	stream.indirect.scatter.add.f32 [tilespmem:s21], [sflag:$0x1], $0x1, s22, s13, $0xb8;
	[tilespmem:$0x6D00] =	vst v63  }
0x125: {  	s21 =	sadd.s32 $0x3780, s20;
	s22 =	sadd.s32 $0x380, s20  }
0x126: {  	[spmem:s2] =	stream.indirect.scatter.add.f32 [tilespmem:s21], [sflag:$0x1], $0x1, s22, s13, $0xb8;
	[tilespmem:$0x6D00] =	vst v63  }
0x127: {  	s21 =	sadd.s32 $0x3800, s20;
	s22 =	sadd.s32 $0x400, s20  }
0x128: {  	[spmem:s2] =	stream.indirect.scatter.add.f32 [tilespmem:s21], [sflag:$0x1], $0x1, s22, s13, $0xb8;
	[tilespmem:$0x6D00] =	vst v63  }
0x129: {  	s21 =	sadd.s32 $0x3880, s20;
	s22 =	sadd.s32 $0x480, s20  }
0x12a: {  	[spmem:s2] =	stream.indirect.scatter.add.f32 [tilespmem:s21], [sflag:$0x1], $0x1, s22, s13, $0xb8;
	[tilespmem:$0x6D00] =	vst v63  }
0x12b: {  	s21 =	sadd.s32 $0x3900, s20;
	s22 =	sadd.s32 $0x500, s20  }
0x12c: {  	[spmem:s2] =	stream.indirect.scatter.add.f32 [tilespmem:s21], [sflag:$0x1], $0x1, s22, s13, $0xb8;
	[tilespmem:$0x6D00] =	vst v63  }
0x12d: {  	s21 =	sadd.s32 $0x3980, s20;
	s22 =	sadd.s32 $0x580, s20  }
0x12e: {  	[spmem:s2] =	stream.indirect.scatter.add.f32 [tilespmem:s21], [sflag:$0x1], $0x1, s22, s13, $0xb8;
	[tilespmem:$0x6D00] =	vst v63  }
0x12f: {  	s21 =	sadd.s32 $0x3A00, s20;
	s22 =	sadd.s32 $0x600, s20  }
0x130: {  	[spmem:s2] =	stream.indirect.scatter.add.f32 [tilespmem:s21], [sflag:$0x1], $0x1, s22, s13, $0xb8;
	[tilespmem:$0x6D00] =	vst v63  }
0x131: {  	s21 =	sadd.s32 $0x3A80, s20;
	s22 =	sadd.s32 $0x680, s20  }
0x132: {  	[spmem:s2] =	stream.indirect.scatter.add.f32 [tilespmem:s21], [sflag:$0x1], $0x1, s22, s13, $0xb8;
	[tilespmem:$0x6D00] =	vst v63  }
0x133: {  	s21 =	sadd.s32 $0x3B00, s20;
	s22 =	sadd.s32 $0x700, s20  }
0x134: {  	[spmem:s2] =	stream.indirect.scatter.add.f32 [tilespmem:s21], [sflag:$0x1], $0x1, s22, s13, $0xb8;
	[tilespmem:$0x6D00] =	vst v63  }
0x135: {  	s21 =	sadd.s32 $0x3B80, s20;
	s22 =	sadd.s32 $0x780, s20  }
0x136: {  	[spmem:s2] =	stream.indirect.scatter.add.f32 [tilespmem:s21], [sflag:$0x1], $0x1, s22, s13, $0xb8;
	[tilespmem:$0x6D00] =	vst v63  }
0x137: {  	s21 =	sadd.s32 $0x3C00, s20;
	s22 =	sadd.s32 $0x800, s20  }
0x138: {  	[spmem:s2] =	stream.indirect.scatter.add.f32 [tilespmem:s21], [sflag:$0x1], $0x1, s22, s13, $0xb8;
	[tilespmem:$0x6D00] =	vst v63  }
0x139: {  	s21 =	sadd.s32 $0x3C80, s20;
	s22 =	sadd.s32 $0x880, s20  }
0x13a: {  	[spmem:s2] =	stream.indirect.scatter.add.f32 [tilespmem:s21], [sflag:$0x1], $0x1, s22, s13, $0xb8;
	[tilespmem:$0x6D00] =	vst v63  }
0x13b: {  	s21 =	sadd.s32 $0x3D00, s20;
	s22 =	sadd.s32 $0x900, s20  }
0x13c: {  	[spmem:s2] =	stream.indirect.scatter.add.f32 [tilespmem:s21], [sflag:$0x1], $0x1, s22, s13, $0xb8;
	[tilespmem:$0x6D00] =	vst v63  }
0x13d: {  	s21 =	sadd.s32 $0x3D80, s20;
	s20 =	sadd.s32 $0x980, s20  }
0x13e: {  	[spmem:s2] =	stream.indirect.scatter.add.f32 [tilespmem:s21], [sflag:$0x1], $0x1, s20, s13, $0xb8;
	[tilespmem:$0x6D00] =	vst v63  }
0x13f: {  	_ =	swait.ge [sflag:s12], $0x80  }
0x140: {  	[sflag:s12] =	ssyncset.done $0x0  }
0x141: {  	[sflag:s12] =	ssyncadd.s32 $0xFFFFFF80  }
0x142: {  	_ =	swait.ge [sflag:s12], $0x80  }
0x143: {  	[sflag:s12] =	ssyncset.done $0x0  }
0x144: {  	[sflag:s12] =	ssyncadd.s32 $0xFFFFFF80  }
0x145: {  	_ =	swait.ge [sflag:s12], $0x80  }
0x146: {  	[sflag:s12] =	ssyncset.done $0x0  }
0x147: {  	[sflag:s12] =	ssyncadd.s32 $0xFFFFFF80  }
0x148: {  	_ =	swait.ge [sflag:s12], $0x80  }
0x149: {  	[sflag:s12] =	ssyncset.done $0x0  }
0x14a: {  	[sflag:s12] =	ssyncadd.s32 $0xFFFFFF80  }
0x14b: {  	_ =	swait.ge [sflag:s12], $0x80  }
0x14c: {  	[sflag:s12] =	ssyncset.done $0x0  }
0x14d: {  	[sflag:s12] =	ssyncadd.s32 $0xFFFFFF80  }
0x14e: {  	_ =	swait.ge [sflag:s12], $0x80  }
0x14f: {  	[sflag:s12] =	ssyncset.done $0x0  }
0x150: {  	[sflag:s12] =	ssyncadd.s32 $0xFFFFFF80  }
0x151: {  	_ =	swait.ge [sflag:s12], $0x80  }
0x152: {  	[sflag:s12] =	ssyncset.done $0x0  }
0x153: {  	[sflag:s12] =	ssyncadd.s32 $0xFFFFFF80  }
0x154: {  	_ =	swait.ge [sflag:s12], $0x80  }
0x155: {  	[sflag:s12] =	ssyncset.done $0x0  }
0x156: {  	[sflag:s12] =	ssyncadd.s32 $0xFFFFFF80  }
0x157: {  	_ =	swait.ge [sflag:s12], $0x80  }
0x158: {  	[sflag:s12] =	ssyncset.done $0x0  }
0x159: {  	[sflag:s12] =	ssyncadd.s32 $0xFFFFFF80  }
0x15a: {  	_ =	swait.ge [sflag:s12], $0x80  }
0x15b: {  	[sflag:s12] =	ssyncset.done $0x0  }
0x15c: {  	[sflag:s12] =	ssyncadd.s32 $0xFFFFFF80  }
0x15d: {  	_ =	swait.ge [sflag:s12], $0x80  }
0x15e: {  	[sflag:s12] =	ssyncset.done $0x0  }
0x15f: {  	[sflag:s12] =	ssyncadd.s32 $0xFFFFFF80  }
0x160: {  	_ =	swait.ge [sflag:s12], $0x80  }
0x161: {  	[sflag:s12] =	ssyncset.done $0x0  }
0x162: {  	[sflag:s12] =	ssyncadd.s32 $0xFFFFFF80  }
0x163: {  	_ =	swait.ge [sflag:s12], $0x80  }
0x164: {  	[sflag:s12] =	ssyncset.done $0x0  }
0x165: {  	[sflag:s12] =	ssyncadd.s32 $0xFFFFFF80  }
0x166: {  	_ =	swait.ge [sflag:s12], $0x80  }
0x167: {  	[sflag:s12] =	ssyncset.done $0x0  }
0x168: {  	[sflag:s12] =	ssyncadd.s32 $0xFFFFFF80  }
0x169: {  	_ =	swait.ge [sflag:s12], $0x80  }
0x16a: {  	[sflag:s12] =	ssyncset.done $0x0  }
0x16b: {  	[sflag:s12] =	ssyncadd.s32 $0xFFFFFF80  }
0x16c: {  	_ =	swait.ge [sflag:s12], $0x80  }
0x16d: {  	[sflag:s12] =	ssyncset.done $0x0  }
0x16e: {  	[sflag:s12] =	ssyncadd.s32 $0xFFFFFF80  }
0x16f: {  	_ =	swait.ge [sflag:s12], $0x80  }
0x170: {  	[sflag:s12] =	ssyncset.done $0x0  }
0x171: {  	[sflag:s12] =	ssyncadd.s32 $0xFFFFFF80  }
0x172: {  	_ =	swait.ge [sflag:s12], $0x80  }
0x173: {  	[sflag:s12] =	ssyncset.done $0x0  }
0x174: {  	[sflag:s12] =	ssyncadd.s32 $0xFFFFFF80  }
.Ltmp3:
0x175: {  	_ =	swait.ge [sflag:s12], $0x80;
	(pc) =	sbr.rel @p1 .LBB2_3-.Ltmp3, $4  }
0x176: {  	[sflag:s12] =	ssyncset.done $0x0  }
0x177: {  	[sflag:s12] =	ssyncadd.s32 $0xFFFFFF80  }
0x178: {  	_ =	swait.ge [sflag:s12], $0x80  }
0x179: {  	s20 =	sshra.s32 s19, $0x2;
	s21 =	smov.u32 s18;
	[sflag:s12] =	ssyncset.done $0x0  }
.Ltmp4:
0x17a: {  	_ = 	snop;
	(pc) =	sbr.rel .LBB2_4-.Ltmp4, $1  }
0x17b: {  	_ =	sdelay $0x3  }
.LBB2_6:
0x17c: {  	_ =	sfence.sel $0x180000  }
0x17d: {  	[bflag:$0x0] =	sbarrier.arrive $0xFFFF  }
0x17e: {  	p0 =	sne.s32 s1, $0x0;
	_ =	strace $0x90000047  }
0x17f: {  	s0 =	sadd.s32 @!p0 $0x100000, s0;
	[bflag:$0x2] =	sbarrier.arrive $0xFFFF  }
0x180: {  	[sflag:s0] =	ssyncadd.tile.s32 @!p0 $0x1;
	_ =	shalt  }
.Lfunc_end2:
_tile_overlayer_lowered:
.L_overlay_start_2:
0x181: {  	(tag) =	ssettag $0x2  }
0x182: {  	s0 =	rddreg [dreg:$0x0];
	s2 =	stileid.u32  }
0x183: {  	s1 =	rddreg [dreg:$0x1];
	p0 =	sne.s32 s2, $0x0  }
0x184: {  	s3 =	rddreg [dreg:$0x2];
	[bflag:$0x3] =	sbarrier.arrive $0xFFFF;
	s2 =	simm.s32 @!p0 $0x1C02  }
0x185: {  	[timem:s3], [sflag:s2] =	dma.local @!p0 [hbm:s0], s1  }
0x186: {  	s0 =	simm.s32 @!p0 $0x2  }
0x187: {  	_ =	swait.ge @!p0 [sflag:s0], s1  }
0x188: {  	s1 =	ssub.s32 @!p0 $0x0, s1;
	[sflag:s0] =	ssyncset.done @!p0 $0x0  }
0x189: {  	[sflag:s0] =	ssyncadd.s32 @!p0 s1  }
0x18a: {  	[bflag:$0x3] =	sbarrier.arrive $0xFFFF  }
0x18b: {  	_ =	shalt  }

</sc_bundles>
